<compile_context>
chip_gen: v7x
topology: tpu7x:2x2x1
jax: 0.10.2.dev20260603
libtpu: 0.0.44.dev20260713+nightly
codegen_flags: <defaults>
</compile_context>

<pallas_src>
import functools

import jax
import jax.numpy as jnp
from jax import lax
from jax.experimental import pallas as pl
from jax.experimental.pallas import tpu as pltpu
from jax.experimental.pallas import tpu_sc as plsc

NC = 2
NS = 16
L = 16
NW = NC * NS


def _make(E, D, K, nacc=8):
    epw = E // NW
    nchunk = -(-epw // K)
    last_off = epw - K
    npair = -(-nchunk // 2)
    assert E % NW == 0 and K % L == 0 and D % nacc == 0
    assert epw >= K and last_off % 8 == 0 and K <= 128

    mesh = plsc.VectorSubcoreMesh(
        core_axis_name="c", subcore_axis_name="s", num_cores=NC
    )

    @functools.partial(
        pl.kernel,
        mesh=mesh,
        out_type=jax.ShapeDtypeStruct((E,), jnp.float32),
        scratch_types=[
            pltpu.VMEM((epw,), jnp.int32),
            pltpu.VMEM((epw,), jnp.int32),
            pltpu.VMEM((epw,), jnp.float32),
            pltpu.VMEM((K, D), jnp.bfloat16),
            pltpu.VMEM((K, D), jnp.bfloat16),
            pltpu.VMEM((K, D), jnp.bfloat16),
            pltpu.VMEM((K, D), jnp.bfloat16),
            pltpu.VMEM((L, L + 1), jnp.float32),
            pltpu.SemaphoreType.DMA,
            pltpu.SemaphoreType.DMA,
        ],
        compiler_params=pltpu.CompilerParams(
            use_tc_tiling_on_sc=False, needs_layout_passes=False
        ),
    )
    def recon(z_hbm, ei_hbm, out_hbm, si_v, di_v, out_v,
              rs0, rd0, rs1, rd1, acc_v, sem0, sem1):
        wid = lax.axis_index("s") * NC + lax.axis_index("c")
        base = wid * epw
        pltpu.sync_copy(ei_hbm.at[0, pl.ds(base, epw)], si_v)
        pltpu.sync_copy(ei_hbm.at[1, pl.ds(base, epw)], di_v)

        lane = lax.iota(jnp.int32, L)
        bufs = ((rs0, rd0, sem0), (rs1, rd1, sem1))

        def off_of(c):
            return jnp.minimum(c * K, last_off)

        def start(c, p):
            rs, rd, sem = bufs[p]
            off = off_of(c)
            pltpu.async_copy(z_hbm.at[si_v.at[pl.ds(off, K)]], rs, sem)
            pltpu.async_copy(z_hbm.at[di_v.at[pl.ds(off, K)]], rd, sem)

        def wait(p):
            rs, rd, sem = bufs[p]
            pltpu.make_async_copy(
                z_hbm.at[si_v.at[pl.ds(0, K)]], rs, sem).wait()
            pltpu.make_async_copy(
                z_hbm.at[di_v.at[pl.ds(0, K)]], rd, sem).wait()

        def compute(c, p):
            rs, rd, _ = bufs[p]
            off = off_of(c)

            def group_body(g, carry2):
                @plsc.parallel_loop(0, L, step=1, unroll=2)
                def edge_loop(i):
                    e = g * L + i
                    accs = [jnp.zeros((L,), jnp.float32)
                            for _ in range(nacc)]
                    for j in range(D // (2 * L)):
                        s = rs[e, pl.ds(j * 2 * L, 2 * L)]
                        t = rd[e, pl.ds(j * 2 * L, 2 * L)]
                        pa, pb = plsc.unpack(
                            s * t, format=plsc.PackFormat.INTERLEAVED,
                            preferred_element_type=jnp.float32)
                        ja = (2 * j) % nacc
                        jb = (2 * j + 1) % nacc
                        accs[ja] = accs[ja] + pa
                        accs[jb] = accs[jb] + pb
                    while len(accs) > 1:
                        accs = [a + b for a, b in zip(accs[::2], accs[1::2])]
                    acc_v[i, pl.ds(0, L)] = accs[0]

                tots = [jnp.zeros((L,), jnp.float32) for _ in range(4)]
                for col in range(L):
                    cvec = jnp.full((L,), col, jnp.int32)
                    tots[col % 4] = tots[col % 4] + plsc.load_gather(
                        acc_v, [lane, cvec])
                dot = (tots[0] + tots[1]) + (tots[2] + tots[3])
                sig = 1.0 / (1.0 + jnp.exp(-dot))
                out_v[pl.ds(off + g * L, L)] = sig
                return carry2

            lax.fori_loop(0, K // L, group_body, 0)

        start(0, 0)

        def pair_body(i, carry):
            for b in range(2):
                c = i * 2 + b

                @pl.when(c + 1 < nchunk)
                def _():
                    start(c + 1, 1 - b)

                @pl.when(c < nchunk)
                def _():
                    wait(b)
                    compute(c, b)
            return carry

        lax.fori_loop(0, npair, pair_body, 0)
        pltpu.sync_copy(out_v, out_hbm.at[pl.ds(base, epw)])

    return recon


_recon = _make(160000, 256, 128)


def kernel(z, edge_index):
    return _recon(z.astype(jnp.bfloat16), edge_index.astype(jnp.int32))

# --- scband reference (transcript-rebuilt; emitter-appended) ---
"""Pipeline reference for scband-reconstruct-7215545058051 (READ-ONLY COPY).

The authoritative reference and input builder live on the scoring server;
editing this copy changes nothing except your own understanding.
"""

import jax, jax.numpy as jnp
import numpy as np


def setup_inputs(seed: int = 0) -> dict:
    key = jax.random.key(seed)
    k1, k2 = jax.random.split(key)
    z = jax.random.normal(k1, (10000, 256), dtype=jnp.float32)
    edge_index = jax.random.randint(k2, (2, 160000), 0, 10000, dtype=jnp.int64)
    return {"z": z, "edge_index": edge_index}


def reference(z, edge_index):
    # Inner product decoder: sigma(z_src . z_dst) per edge
    src = jnp.take(z, edge_index[0], axis=0)
    dst = jnp.take(z, edge_index[1], axis=0)
    value = (src * dst).sum(axis=1)
    return jax.nn.sigmoid(value)

if __name__ == "__main__":
    import jax
    _d = setup_inputs()
    print(jax.jit(kernel)(*tuple(_d.values())))

</pallas_src>

<mosaic_0001>
#map = affine_map<(d0, d1) -> (0, 0)>
#map1 = affine_map<(d0, d1) -> (0)>
module attributes {stable_mosaic.version = 14 : i64} {
  func.func @recon(%arg0: i32, %arg1: i32, %arg2: memref<10000x256xbf16, #tpu.memory_space<hbm>>, %arg3: memref<2x160000xi32, #tpu.memory_space<hbm>>, %arg4: memref<160000xf32, #tpu.memory_space<hbm>>, %arg5: memref<5000xi32, #tpu.memory_space<vmem>>, %arg6: memref<5000xi32, #tpu.memory_space<vmem>>, %arg7: memref<5000xf32, #tpu.memory_space<vmem>>, %arg8: memref<128x256xbf16, #tpu.memory_space<vmem>>, %arg9: memref<128x256xbf16, #tpu.memory_space<vmem>>, %arg10: memref<128x256xbf16, #tpu.memory_space<vmem>>, %arg11: memref<128x256xbf16, #tpu.memory_space<vmem>>, %arg12: memref<16x17xf32, #tpu.memory_space<vmem>>, %arg13: memref<!tpu.dma_semaphore, #tpu.memory_space<semaphore_mem>>, %arg14: memref<!tpu.dma_semaphore, #tpu.memory_space<semaphore_mem>>) attributes {dimension_semantics = [#tpu.dimension_semantics<core_parallel>, #tpu.dimension_semantics<subcore_parallel>], iteration_bounds = array<i64: 2, 16>, scalar_prefetch = 0 : i64, scratch_operands = 10 : i64, tpu.core_type = #tpu.core_type<sc_vector_subcore>, window_params = [{transform_indices = #map}, {transform_indices = #map}, {transform_indices = #map1}]} {
    %mul3A = arith.constant 2 : i32
    %mul3A_0 = arith.muli %arg1, %mul3A : i32
    %add3A = arith.addi %mul3A_0, %arg0 : i32
    %mul3A_1 = arith.constant 5000 : i32
    %mul3A_2 = arith.muli %add3A, %mul3A_1 : i32
    %run_scoped3A = arith.constant 0 : i32
    "tpu.region"() ({
      %run_scoped3A_18 = tpu.sem_alloc : memref<!tpu.dma_semaphore, #tpu.memory_space<semaphore_mem>>
      %dma_start3A_19 = tpu.memref_slice %arg3[%run_scoped3A, %mul3A_2] : memref<2x160000xi32, #tpu.memory_space<hbm>> -> memref<1x5000xi32, #tpu.memory_space<hbm>>
      %dma_start3A_20 = tpu.memref_squeeze %dma_start3A_19 : memref<1x5000xi32, #tpu.memory_space<hbm>> -> memref<5000xi32, #tpu.memory_space<hbm>>
      %dma_start3A_21 = tpu.memref_slice %arg3[%run_scoped3A, %mul3A_2] : memref<2x160000xi32, #tpu.memory_space<hbm>> -> memref<1x5000xi32, #tpu.memory_space<hbm>>
      %dma_start3A_22 = tpu.memref_squeeze %dma_start3A_21 : memref<1x5000xi32, #tpu.memory_space<hbm>> -> memref<5000xi32, #tpu.memory_space<hbm>>
      tpu.enqueue_dma source(%dma_start3A_22 : memref<5000xi32, #tpu.memory_space<hbm>>) target(%arg5 : memref<5000xi32, #tpu.memory_space<vmem>>) target_semaphore(%run_scoped3A_18 : memref<!tpu.dma_semaphore, #tpu.memory_space<semaphore_mem>>)
      %dma_wait3A = tpu.memref_slice %arg3[%run_scoped3A, %mul3A_2] : memref<2x160000xi32, #tpu.memory_space<hbm>> -> memref<1x5000xi32, #tpu.memory_space<hbm>>
      %dma_wait3A_23 = tpu.memref_squeeze %dma_wait3A : memref<1x5000xi32, #tpu.memory_space<hbm>> -> memref<5000xi32, #tpu.memory_space<hbm>>
      %dma_wait3A_24 = tpu.memref_slice %arg3[%run_scoped3A, %mul3A_2] : memref<2x160000xi32, #tpu.memory_space<hbm>> -> memref<1x5000xi32, #tpu.memory_space<hbm>>
      %dma_wait3A_25 = tpu.memref_squeeze %dma_wait3A_24 : memref<1x5000xi32, #tpu.memory_space<hbm>> -> memref<5000xi32, #tpu.memory_space<hbm>>
      tpu.wait_dma2 semaphore(%run_scoped3A_18 : memref<!tpu.dma_semaphore, #tpu.memory_space<semaphore_mem>>) src(%dma_wait3A_25 : memref<5000xi32, #tpu.memory_space<hbm>>) dst(%arg5 : memref<5000xi32, #tpu.memory_space<vmem>>)
      tpu.yield
    }) : () -> ()
    %run_scoped3A_3 = arith.constant 1 : i32
    "tpu.region"() ({
      %run_scoped3A_18 = tpu.sem_alloc : memref<!tpu.dma_semaphore, #tpu.memory_space<semaphore_mem>>
      %dma_start3A_19 = tpu.memref_slice %arg3[%run_scoped3A_3, %mul3A_2] : memref<2x160000xi32, #tpu.memory_space<hbm>> -> memref<1x5000xi32, #tpu.memory_space<hbm>>
      %dma_start3A_20 = tpu.memref_squeeze %dma_start3A_19 : memref<1x5000xi32, #tpu.memory_space<hbm>> -> memref<5000xi32, #tpu.memory_space<hbm>>
      %dma_start3A_21 = tpu.memref_slice %arg3[%run_scoped3A_3, %mul3A_2] : memref<2x160000xi32, #tpu.memory_space<hbm>> -> memref<1x5000xi32, #tpu.memory_space<hbm>>
      %dma_start3A_22 = tpu.memref_squeeze %dma_start3A_21 : memref<1x5000xi32, #tpu.memory_space<hbm>> -> memref<5000xi32, #tpu.memory_space<hbm>>
      tpu.enqueue_dma source(%dma_start3A_22 : memref<5000xi32, #tpu.memory_space<hbm>>) target(%arg6 : memref<5000xi32, #tpu.memory_space<vmem>>) target_semaphore(%run_scoped3A_18 : memref<!tpu.dma_semaphore, #tpu.memory_space<semaphore_mem>>)
      %dma_wait3A = tpu.memref_slice %arg3[%run_scoped3A_3, %mul3A_2] : memref<2x160000xi32, #tpu.memory_space<hbm>> -> memref<1x5000xi32, #tpu.memory_space<hbm>>
      %dma_wait3A_23 = tpu.memref_squeeze %dma_wait3A : memref<1x5000xi32, #tpu.memory_space<hbm>> -> memref<5000xi32, #tpu.memory_space<hbm>>
      %dma_wait3A_24 = tpu.memref_slice %arg3[%run_scoped3A_3, %mul3A_2] : memref<2x160000xi32, #tpu.memory_space<hbm>> -> memref<1x5000xi32, #tpu.memory_space<hbm>>
      %dma_wait3A_25 = tpu.memref_squeeze %dma_wait3A_24 : memref<1x5000xi32, #tpu.memory_space<hbm>> -> memref<5000xi32, #tpu.memory_space<hbm>>
      tpu.wait_dma2 semaphore(%run_scoped3A_18 : memref<!tpu.dma_semaphore, #tpu.memory_space<semaphore_mem>>) src(%dma_wait3A_25 : memref<5000xi32, #tpu.memory_space<hbm>>) dst(%arg6 : memref<5000xi32, #tpu.memory_space<vmem>>)
      tpu.yield
    }) : () -> ()
    %iota3A = tpu.iota {dimensions = array<i32: 0>} : vector<16xi32>
    %min3A = arith.constant 0 : i32
    %min3A_4 = arith.constant 4872 : i32
    %min3A_5 = arith.minsi %min3A, %min3A_4 : i32
    %dma_start3A = tpu.memref_slice %arg5[%min3A_5] : memref<5000xi32, #tpu.memory_space<vmem>> -> memref<128xi32, #tpu.memory_space<vmem>>
    %dma_start3A_6 = arith.constant 0 : i32
    %dma_start3A_7 = arith.constant 0 : i32
    %dma_start3A_8 = tpu.memref_slice %arg2[%dma_start3A_6, %dma_start3A_7] : memref<10000x256xbf16, #tpu.memory_space<hbm>> -> memref<10000x256xbf16, #tpu.memory_space<hbm>>
    tpu.enqueue_indirect_dma source(%dma_start3A_8 : memref<10000x256xbf16, #tpu.memory_space<hbm>>) target(%arg8 : memref<128x256xbf16, #tpu.memory_space<vmem>>) offsets(%dma_start3A : memref<128xi32, #tpu.memory_space<vmem>>) semaphore(%arg13 : memref<!tpu.dma_semaphore, #tpu.memory_space<semaphore_mem>>)
    %dma_start3A_9 = tpu.memref_slice %arg6[%min3A_5] : memref<5000xi32, #tpu.memory_space<vmem>> -> memref<128xi32, #tpu.memory_space<vmem>>
    %dma_start3A_10 = arith.constant 0 : i32
    %dma_start3A_11 = arith.constant 0 : i32
    %dma_start3A_12 = tpu.memref_slice %arg2[%dma_start3A_10, %dma_start3A_11] : memref<10000x256xbf16, #tpu.memory_space<hbm>> -> memref<10000x256xbf16, #tpu.memory_space<hbm>>
    tpu.enqueue_indirect_dma source(%dma_start3A_12 : memref<10000x256xbf16, #tpu.memory_space<hbm>>) target(%arg9 : memref<128x256xbf16, #tpu.memory_space<vmem>>) offsets(%dma_start3A_9 : memref<128xi32, #tpu.memory_space<vmem>>) semaphore(%arg13 : memref<!tpu.dma_semaphore, #tpu.memory_space<semaphore_mem>>)
    %scan3A = arith.constant 0 : i32
    %scan3A_13 = arith.constant 0 : i32
    %scan3A_14 = arith.constant 20 : i32
    %scan3A_15 = arith.addi %scan3A_13, %scan3A_14 : i32
    %scan3A_16 = arith.constant 1 : i32
    scf.for %scan3A_18 = %scan3A_13 to %scan3A_15 step %scan3A_16  : i32 {
      %mul3A_19 = arith.constant 2 : i32
      %mul3A_20 = arith.muli %scan3A_18, %mul3A_19 : i32
      %add3A_21 = arith.constant 0 : i32
      %add3A_22 = arith.addi %mul3A_20, %add3A_21 : i32
      %add3A_23 = arith.constant 1 : i32
      %add3A_24 = arith.addi %add3A_22, %add3A_23 : i32
      %lt3A = arith.constant 40 : i32
      %lt3A_25 = arith.cmpi slt, %add3A_24, %lt3A : i32
      %convert_element_type3A = arith.extui %lt3A_25 : i1 to i32
      %cond3A = arith.constant 0 : i32
      %cond3A_26 = arith.cmpi ne, %convert_element_type3A, %cond3A : i32
      scf.if %cond3A_26 {
        %add3A_48 = arith.constant 1 : i32
        %add3A_49 = arith.addi %add3A_22, %add3A_48 : i32
        %mul3A_50 = arith.constant 128 : i32
        %mul3A_51 = arith.muli %add3A_49, %mul3A_50 : i32
        %min3A_52 = arith.constant 4872 : i32
        %min3A_53 = arith.minsi %mul3A_51, %min3A_52 : i32
        %dma_start3A_54 = tpu.memref_slice %arg5[%min3A_53] : memref<5000xi32, #tpu.memory_space<vmem>> -> memref<128xi32, #tpu.memory_space<vmem>>
        %dma_start3A_55 = arith.constant 0 : i32
        %dma_start3A_56 = arith.constant 0 : i32
        %dma_start3A_57 = tpu.memref_slice %arg2[%dma_start3A_55, %dma_start3A_56] : memref<10000x256xbf16, #tpu.memory_space<hbm>> -> memref<10000x256xbf16, #tpu.memory_space<hbm>>
        tpu.enqueue_indirect_dma source(%dma_start3A_57 : memref<10000x256xbf16, #tpu.memory_space<hbm>>) target(%arg10 : memref<128x256xbf16, #tpu.memory_space<vmem>>) offsets(%dma_start3A_54 : memref<128xi32, #tpu.memory_space<vmem>>) semaphore(%arg14 : memref<!tpu.dma_semaphore, #tpu.memory_space<semaphore_mem>>)
        %dma_start3A_58 = tpu.memref_slice %arg6[%min3A_53] : memref<5000xi32, #tpu.memory_space<vmem>> -> memref<128xi32, #tpu.memory_space<vmem>>
        %dma_start3A_59 = arith.constant 0 : i32
        %dma_start3A_60 = arith.constant 0 : i32
        %dma_start3A_61 = tpu.memref_slice %arg2[%dma_start3A_59, %dma_start3A_60] : memref<10000x256xbf16, #tpu.memory_space<hbm>> -> memref<10000x256xbf16, #tpu.memory_space<hbm>>
        tpu.enqueue_indirect_dma source(%dma_start3A_61 : memref<10000x256xbf16, #tpu.memory_space<hbm>>) target(%arg11 : memref<128x256xbf16, #tpu.memory_space<vmem>>) offsets(%dma_start3A_58 : memref<128xi32, #tpu.memory_space<vmem>>) semaphore(%arg14 : memref<!tpu.dma_semaphore, #tpu.memory_space<semaphore_mem>>)
      } else {
      }
      %lt3A_27 = arith.constant 40 : i32
      %lt3A_28 = arith.cmpi slt, %add3A_22, %lt3A_27 : i32
      %convert_element_type3A_29 = arith.extui %lt3A_28 : i1 to i32
      %cond3A_30 = arith.constant 0 : i32
      %cond3A_31 = arith.cmpi ne, %convert_element_type3A_29, %cond3A_30 : i32
      scf.if %cond3A_31 {
        %dma_wait3A = arith.constant 0 : i32
        %dma_wait3A_48 = tpu.memref_slice %arg5[%dma_wait3A] : memref<5000xi32, #tpu.memory_space<vmem>> -> memref<128xi32, #tpu.memory_space<vmem>>
        %dma_wait3A_49 = arith.constant 0 : i32
        %dma_wait3A_50 = arith.constant 0 : i32
        %dma_wait3A_51 = tpu.memref_slice %arg2[%dma_wait3A_49, %dma_wait3A_50] : memref<10000x256xbf16, #tpu.memory_space<hbm>> -> memref<10000x256xbf16, #tpu.memory_space<hbm>>
        tpu.wait_indirect_dma semaphore(%arg13 : memref<!tpu.dma_semaphore, #tpu.memory_space<semaphore_mem>>) src(%dma_wait3A_51 : memref<10000x256xbf16, #tpu.memory_space<hbm>>) dst(%arg8 : memref<128x256xbf16, #tpu.memory_space<vmem>>)
        %dma_wait3A_52 = arith.constant 0 : i32
        %dma_wait3A_53 = tpu.memref_slice %arg6[%dma_wait3A_52] : memref<5000xi32, #tpu.memory_space<vmem>> -> memref<128xi32, #tpu.memory_space<vmem>>
        %dma_wait3A_54 = arith.constant 0 : i32
        %dma_wait3A_55 = arith.constant 0 : i32
        %dma_wait3A_56 = tpu.memref_slice %arg2[%dma_wait3A_54, %dma_wait3A_55] : memref<10000x256xbf16, #tpu.memory_space<hbm>> -> memref<10000x256xbf16, #tpu.memory_space<hbm>>
        tpu.wait_indirect_dma semaphore(%arg13 : memref<!tpu.dma_semaphore, #tpu.memory_space<semaphore_mem>>) src(%dma_wait3A_56 : memref<10000x256xbf16, #tpu.memory_space<hbm>>) dst(%arg9 : memref<128x256xbf16, #tpu.memory_space<vmem>>)
        %mul3A_57 = arith.constant 128 : i32
        %mul3A_58 = arith.muli %add3A_22, %mul3A_57 : i32
        %min3A_59 = arith.constant 4872 : i32
        %min3A_60 = arith.minsi %mul3A_58, %min3A_59 : i32
        %scan3A_61 = arith.constant 0 : i32
        %scan3A_62 = arith.constant 0 : i32
        %scan3A_63 = arith.constant 8 : i32
        %scan3A_64 = arith.addi %scan3A_62, %scan3A_63 : i32
        %scan3A_65 = arith.constant 1 : i32
        scf.for %scan3A_67 = %scan3A_62 to %scan3A_64 step %scan3A_65  : i32 {
          %parallel_loop3A = arith.constant 0 : i32
          %parallel_loop3A_68 = arith.constant 16 : i32
          %parallel_loop3A_69 = arith.constant 1 : i32
          scf.for %parallel_loop3A_154 = %parallel_loop3A to %parallel_loop3A_68 step %parallel_loop3A_69  : i32 {
            %parallel_loop3A_155 = arith.constant 16 : i32
            %parallel_loop3A_156 = arith.muli %scan3A_67, %parallel_loop3A_155 : i32
            %parallel_loop3A_157 = arith.addi %parallel_loop3A_156, %parallel_loop3A_154 : i32
            %parallel_loop3A_158 = arith.constant 0.000000e+00 : f32
            %parallel_loop3A_159 = vector.broadcast %parallel_loop3A_158 : f32 to vector<16xf32>
            %parallel_loop3A_160 = arith.constant 0.000000e+00 : f32
            %parallel_loop3A_161 = vector.broadcast %parallel_loop3A_160 : f32 to vector<16xf32>
            %parallel_loop3A_162 = arith.constant 0.000000e+00 : f32
            %parallel_loop3A_163 = vector.broadcast %parallel_loop3A_162 : f32 to vector<16xf32>
            %parallel_loop3A_164 = arith.constant 0.000000e+00 : f32
            %parallel_loop3A_165 = vector.broadcast %parallel_loop3A_164 : f32 to vector<16xf32>
            %parallel_loop3A_166 = arith.constant 0.000000e+00 : f32
            %parallel_loop3A_167 = vector.broadcast %parallel_loop3A_166 : f32 to vector<16xf32>
            %parallel_loop3A_168 = arith.constant 0.000000e+00 : f32
            %parallel_loop3A_169 = vector.broadcast %parallel_loop3A_168 : f32 to vector<16xf32>
            %parallel_loop3A_170 = arith.constant 0.000000e+00 : f32
            %parallel_loop3A_171 = vector.broadcast %parallel_loop3A_170 : f32 to vector<16xf32>
            %parallel_loop3A_172 = arith.constant 0.000000e+00 : f32
            %parallel_loop3A_173 = vector.broadcast %parallel_loop3A_172 : f32 to vector<16xf32>
            %parallel_loop3A_174 = arith.index_cast %parallel_loop3A_157 : i32 to index
            %parallel_loop3A_175 = arith.constant 0 : index
            %parallel_loop3A_176 = tpu.vector_load %arg8[%parallel_loop3A_174, %parallel_loop3A_175] {strides = array<i32>} : memref<128x256xbf16, #tpu.memory_space<vmem>>, vector<32xbf16>,
            %parallel_loop3A_177 = arith.index_cast %parallel_loop3A_157 : i32 to index
            %parallel_loop3A_178 = arith.constant 0 : index
            %parallel_loop3A_179 = tpu.vector_load %arg9[%parallel_loop3A_177, %parallel_loop3A_178] {strides = array<i32>} : memref<128x256xbf16, #tpu.memory_space<vmem>>, vector<32xbf16>,
            %parallel_loop3A_180 = arith.mulf %parallel_loop3A_176, %parallel_loop3A_179 : vector<32xbf16>
            %parallel_loop3A_181 = tpu.unpack_subelements %parallel_loop3A_180, 0 {pack_format = #tpu.pack_format<interleaved>} : vector<32xbf16> -> vector<16xf32>
            %parallel_loop3A_182 = tpu.unpack_subelements %parallel_loop3A_180, 1 {pack_format = #tpu.pack_format<interleaved>} : vector<32xbf16> -> vector<16xf32>
            %parallel_loop3A_183 = arith.addf %parallel_loop3A_159, %parallel_loop3A_181 : vector<16xf32>
            %parallel_loop3A_184 = arith.addf %parallel_loop3A_161, %parallel_loop3A_182 : vector<16xf32>
            %parallel_loop3A_185 = arith.index_cast %parallel_loop3A_157 : i32 to index
            %parallel_loop3A_186 = arith.constant 32 : index
            %parallel_loop3A_187 = tpu.vector_load %arg8[%parallel_loop3A_185, %parallel_loop3A_186] {strides = array<i32>} : memref<128x256xbf16, #tpu.memory_space<vmem>>, vector<32xbf16>,
            %parallel_loop3A_188 = arith.index_cast %parallel_loop3A_157 : i32 to index
            %parallel_loop3A_189 = arith.constant 32 : index
            %parallel_loop3A_190 = tpu.vector_load %arg9[%parallel_loop3A_188, %parallel_loop3A_189] {strides = array<i32>} : memref<128x256xbf16, #tpu.memory_space<vmem>>, vector<32xbf16>,
            %parallel_loop3A_191 = arith.mulf %parallel_loop3A_187, %parallel_loop3A_190 : vector<32xbf16>
            %parallel_loop3A_192 = tpu.unpack_subelements %parallel_loop3A_191, 0 {pack_format = #tpu.pack_format<interleaved>} : vector<32xbf16> -> vector<16xf32>
            %parallel_loop3A_193 = tpu.unpack_subelements %parallel_loop3A_191, 1 {pack_format = #tpu.pack_format<interleaved>} : vector<32xbf16> -> vector<16xf32>
            %parallel_loop3A_194 = arith.addf %parallel_loop3A_163, %parallel_loop3A_192 : vector<16xf32>
            %parallel_loop3A_195 = arith.addf %parallel_loop3A_165, %parallel_loop3A_193 : vector<16xf32>
            %parallel_loop3A_196 = arith.index_cast %parallel_loop3A_157 : i32 to index
            %parallel_loop3A_197 = arith.constant 64 : index
            %parallel_loop3A_198 = tpu.vector_load %arg8[%parallel_loop3A_196, %parallel_loop3A_197] {strides = array<i32>} : memref<128x256xbf16, #tpu.memory_space<vmem>>, vector<32xbf16>,
            %parallel_loop3A_199 = arith.index_cast %parallel_loop3A_157 : i32 to index
            %parallel_loop3A_200 = arith.constant 64 : index
            %parallel_loop3A_201 = tpu.vector_load %arg9[%parallel_loop3A_199, %parallel_loop3A_200] {strides = array<i32>} : memref<128x256xbf16, #tpu.memory_space<vmem>>, vector<32xbf16>,
            %parallel_loop3A_202 = arith.mulf %parallel_loop3A_198, %parallel_loop3A_201 : vector<32xbf16>
            %parallel_loop3A_203 = tpu.unpack_subelements %parallel_loop3A_202, 0 {pack_format = #tpu.pack_format<interleaved>} : vector<32xbf16> -> vector<16xf32>
            %parallel_loop3A_204 = tpu.unpack_subelements %parallel_loop3A_202, 1 {pack_format = #tpu.pack_format<interleaved>} : vector<32xbf16> -> vector<16xf32>
            %parallel_loop3A_205 = arith.addf %parallel_loop3A_167, %parallel_loop3A_203 : vector<16xf32>
            %parallel_loop3A_206 = arith.addf %parallel_loop3A_169, %parallel_loop3A_204 : vector<16xf32>
            %parallel_loop3A_207 = arith.index_cast %parallel_loop3A_157 : i32 to index
            %parallel_loop3A_208 = arith.constant 96 : index
            %parallel_loop3A_209 = tpu.vector_load %arg8[%parallel_loop3A_207, %parallel_loop3A_208] {strides = array<i32>} : memref<128x256xbf16, #tpu.memory_space<vmem>>, vector<32xbf16>,
            %parallel_loop3A_210 = arith.index_cast %parallel_loop3A_157 : i32 to index
            %parallel_loop3A_211 = arith.constant 96 : index
            %parallel_loop3A_212 = tpu.vector_load %arg9[%parallel_loop3A_210, %parallel_loop3A_211] {strides = array<i32>} : memref<128x256xbf16, #tpu.memory_space<vmem>>, vector<32xbf16>,
            %parallel_loop3A_213 = arith.mulf %parallel_loop3A_209, %parallel_loop3A_212 : vector<32xbf16>
            %parallel_loop3A_214 = tpu.unpack_subelements %parallel_loop3A_213, 0 {pack_format = #tpu.pack_format<interleaved>} : vector<32xbf16> -> vector<16xf32>
            %parallel_loop3A_215 = tpu.unpack_subelements %parallel_loop3A_213, 1 {pack_format = #tpu.pack_format<interleaved>} : vector<32xbf16> -> vector<16xf32>
            %parallel_loop3A_216 = arith.addf %parallel_loop3A_171, %parallel_loop3A_214 : vector<16xf32>
            %parallel_loop3A_217 = arith.addf %parallel_loop3A_173, %parallel_loop3A_215 : vector<16xf32>
            %parallel_loop3A_218 = arith.index_cast %parallel_loop3A_157 : i32 to index
            %parallel_loop3A_219 = arith.constant 128 : index
            %parallel_loop3A_220 = tpu.vector_load %arg8[%parallel_loop3A_218, %parallel_loop3A_219] {strides = array<i32>} : memref<128x256xbf16, #tpu.memory_space<vmem>>, vector<32xbf16>,
            %parallel_loop3A_221 = arith.index_cast %parallel_loop3A_157 : i32 to index
            %parallel_loop3A_222 = arith.constant 128 : index
            %parallel_loop3A_223 = tpu.vector_load %arg9[%parallel_loop3A_221, %parallel_loop3A_222] {strides = array<i32>} : memref<128x256xbf16, #tpu.memory_space<vmem>>, vector<32xbf16>,
            %parallel_loop3A_224 = arith.mulf %parallel_loop3A_220, %parallel_loop3A_223 : vector<32xbf16>
            %parallel_loop3A_225 = tpu.unpack_subelements %parallel_loop3A_224, 0 {pack_format = #tpu.pack_format<interleaved>} : vector<32xbf16> -> vector<16xf32>
            %parallel_loop3A_226 = tpu.unpack_subelements %parallel_loop3A_224, 1 {pack_format = #tpu.pack_format<interleaved>} : vector<32xbf16> -> vector<16xf32>
            %parallel_loop3A_227 = arith.addf %parallel_loop3A_183, %parallel_loop3A_225 : vector<16xf32>
            %parallel_loop3A_228 = arith.addf %parallel_loop3A_184, %parallel_loop3A_226 : vector<16xf32>
            %parallel_loop3A_229 = arith.index_cast %parallel_loop3A_157 : i32 to index
            %parallel_loop3A_230 = arith.constant 160 : index
            %parallel_loop3A_231 = tpu.vector_load %arg8[%parallel_loop3A_229, %parallel_loop3A_230] {strides = array<i32>} : memref<128x256xbf16, #tpu.memory_space<vmem>>, vector<32xbf16>,
            %parallel_loop3A_232 = arith.index_cast %parallel_loop3A_157 : i32 to index
            %parallel_loop3A_233 = arith.constant 160 : index
            %parallel_loop3A_234 = tpu.vector_load %arg9[%parallel_loop3A_232, %parallel_loop3A_233] {strides = array<i32>} : memref<128x256xbf16, #tpu.memory_space<vmem>>, vector<32xbf16>,
            %parallel_loop3A_235 = arith.mulf %parallel_loop3A_231, %parallel_loop3A_234 : vector<32xbf16>
            %parallel_loop3A_236 = tpu.unpack_subelements %parallel_loop3A_235, 0 {pack_format = #tpu.pack_format<interleaved>} : vector<32xbf16> -> vector<16xf32>
            %parallel_loop3A_237 = tpu.unpack_subelements %parallel_loop3A_235, 1 {pack_format = #tpu.pack_format<interleaved>} : vector<32xbf16> -> vector<16xf32>
            %parallel_loop3A_238 = arith.addf %parallel_loop3A_194, %parallel_loop3A_236 : vector<16xf32>
            %parallel_loop3A_239 = arith.addf %parallel_loop3A_195, %parallel_loop3A_237 : vector<16xf32>
            %parallel_loop3A_240 = arith.index_cast %parallel_loop3A_157 : i32 to index
            %parallel_loop3A_241 = arith.constant 192 : index
            %parallel_loop3A_242 = tpu.vector_load %arg8[%parallel_loop3A_240, %parallel_loop3A_241] {strides = array<i32>} : memref<128x256xbf16, #tpu.memory_space<vmem>>, vector<32xbf16>,
            %parallel_loop3A_243 = arith.index_cast %parallel_loop3A_157 : i32 to index
            %parallel_loop3A_244 = arith.constant 192 : index
            %parallel_loop3A_245 = tpu.vector_load %arg9[%parallel_loop3A_243, %parallel_loop3A_244] {strides = array<i32>} : memref<128x256xbf16, #tpu.memory_space<vmem>>, vector<32xbf16>,
            %parallel_loop3A_246 = arith.mulf %parallel_loop3A_242, %parallel_loop3A_245 : vector<32xbf16>
            %parallel_loop3A_247 = tpu.unpack_subelements %parallel_loop3A_246, 0 {pack_format = #tpu.pack_format<interleaved>} : vector<32xbf16> -> vector<16xf32>
            %parallel_loop3A_248 = tpu.unpack_subelements %parallel_loop3A_246, 1 {pack_format = #tpu.pack_format<interleaved>} : vector<32xbf16> -> vector<16xf32>
            %parallel_loop3A_249 = arith.addf %parallel_loop3A_205, %parallel_loop3A_247 : vector<16xf32>
            %parallel_loop3A_250 = arith.addf %parallel_loop3A_206, %parallel_loop3A_248 : vector<16xf32>
            %parallel_loop3A_251 = arith.index_cast %parallel_loop3A_157 : i32 to index
            %parallel_loop3A_252 = arith.constant 224 : index
            %parallel_loop3A_253 = tpu.vector_load %arg8[%parallel_loop3A_251, %parallel_loop3A_252] {strides = array<i32>} : memref<128x256xbf16, #tpu.memory_space<vmem>>, vector<32xbf16>,
            %parallel_loop3A_254 = arith.index_cast %parallel_loop3A_157 : i32 to index
            %parallel_loop3A_255 = arith.constant 224 : index
            %parallel_loop3A_256 = tpu.vector_load %arg9[%parallel_loop3A_254, %parallel_loop3A_255] {strides = array<i32>} : memref<128x256xbf16, #tpu.memory_space<vmem>>, vector<32xbf16>,
            %parallel_loop3A_257 = arith.mulf %parallel_loop3A_253, %parallel_loop3A_256 : vector<32xbf16>
            %parallel_loop3A_258 = tpu.unpack_subelements %parallel_loop3A_257, 0 {pack_format = #tpu.pack_format<interleaved>} : vector<32xbf16> -> vector<16xf32>
            %parallel_loop3A_259 = tpu.unpack_subelements %parallel_loop3A_257, 1 {pack_format = #tpu.pack_format<interleaved>} : vector<32xbf16> -> vector<16xf32>
            %parallel_loop3A_260 = arith.addf %parallel_loop3A_216, %parallel_loop3A_258 : vector<16xf32>
            %parallel_loop3A_261 = arith.addf %parallel_loop3A_217, %parallel_loop3A_259 : vector<16xf32>
            %parallel_loop3A_262 = arith.addf %parallel_loop3A_227, %parallel_loop3A_228 : vector<16xf32>
            %parallel_loop3A_263 = arith.addf %parallel_loop3A_238, %parallel_loop3A_239 : vector<16xf32>
            %parallel_loop3A_264 = arith.addf %parallel_loop3A_249, %parallel_loop3A_250 : vector<16xf32>
            %parallel_loop3A_265 = arith.addf %parallel_loop3A_260, %parallel_loop3A_261 : vector<16xf32>
            %parallel_loop3A_266 = arith.addf %parallel_loop3A_262, %parallel_loop3A_263 : vector<16xf32>
            %parallel_loop3A_267 = arith.addf %parallel_loop3A_264, %parallel_loop3A_265 : vector<16xf32>
            %parallel_loop3A_268 = arith.addf %parallel_loop3A_266, %parallel_loop3A_267 : vector<16xf32>
            %parallel_loop3A_269 = arith.index_cast %parallel_loop3A_154 : i32 to index
            %parallel_loop3A_270 = arith.constant 0 : index
            %parallel_loop3A_271 = tpu.vector_load %arg12[%parallel_loop3A_269, %parallel_loop3A_270] {strides = array<i32>} : memref<16x17xf32, #tpu.memory_space<vmem>>, vector<16xf32>,
            tpu.vector_store %arg12[%parallel_loop3A_269, %parallel_loop3A_270], %parallel_loop3A_268 {strides = array<i32>} : memref<16x17xf32, #tpu.memory_space<vmem>>, vector<16xf32>,
          } {sc.loop_unroll_factor = 2 : i64, sc.parallel_access}
          %broadcast_in_dim3A = arith.constant 0.000000e+00 : f32
          %broadcast_in_dim3A_70 = vector.broadcast %broadcast_in_dim3A : f32 to vector<16xf32>
          %broadcast_in_dim3A_71 = arith.constant 0.000000e+00 : f32
          %broadcast_in_dim3A_72 = vector.broadcast %broadcast_in_dim3A_71 : f32 to vector<16xf32>
          %broadcast_in_dim3A_73 = arith.constant 0.000000e+00 : f32
          %broadcast_in_dim3A_74 = vector.broadcast %broadcast_in_dim3A_73 : f32 to vector<16xf32>
          %broadcast_in_dim3A_75 = arith.constant 0.000000e+00 : f32
          %broadcast_in_dim3A_76 = vector.broadcast %broadcast_in_dim3A_75 : f32 to vector<16xf32>
          %broadcast_in_dim3A_77 = arith.constant 0 : i32
          %broadcast_in_dim3A_78 = vector.broadcast %broadcast_in_dim3A_77 : i32 to vector<16xi32>
          %gather3A = tpu.vector_load_idx %arg12[%iota3A, %broadcast_in_dim3A_78] : memref<16x17xf32, #tpu.memory_space<vmem>>[vector<16xi32>, vector<16xi32>], vector<16xf32>,
          %add3A_79 = arith.addf %broadcast_in_dim3A_70, %gather3A : vector<16xf32>
          %broadcast_in_dim3A_80 = arith.constant 1 : i32
          %broadcast_in_dim3A_81 = vector.broadcast %broadcast_in_dim3A_80 : i32 to vector<16xi32>
          %gather3A_82 = tpu.vector_load_idx %arg12[%iota3A, %broadcast_in_dim3A_81] : memref<16x17xf32, #tpu.memory_space<vmem>>[vector<16xi32>, vector<16xi32>], vector<16xf32>,
          %add3A_83 = arith.addf %broadcast_in_dim3A_72, %gather3A_82 : vector<16xf32>
          %broadcast_in_dim3A_84 = arith.constant 2 : i32
          %broadcast_in_dim3A_85 = vector.broadcast %broadcast_in_dim3A_84 : i32 to vector<16xi32>
          %gather3A_86 = tpu.vector_load_idx %arg12[%iota3A, %broadcast_in_dim3A_85] : memref<16x17xf32, #tpu.memory_space<vmem>>[vector<16xi32>, vector<16xi32>], vector<16xf32>,
          %add3A_87 = arith.addf %broadcast_in_dim3A_74, %gather3A_86 : vector<16xf32>
          %broadcast_in_dim3A_88 = arith.constant 3 : i32
          %broadcast_in_dim3A_89 = vector.broadcast %broadcast_in_dim3A_88 : i32 to vector<16xi32>
          %gather3A_90 = tpu.vector_load_idx %arg12[%iota3A, %broadcast_in_dim3A_89] : memref<16x17xf32, #tpu.memory_space<vmem>>[vector<16xi32>, vector<16xi32>], vector<16xf32>,
          %add3A_91 = arith.addf %broadcast_in_dim3A_76, %gather3A_90 : vector<16xf32>
          %broadcast_in_dim3A_92 = arith.constant 4 : i32
          %broadcast_in_dim3A_93 = vector.broadcast %broadcast_in_dim3A_92 : i32 to vector<16xi32>
          %gather3A_94 = tpu.vector_load_idx %arg12[%iota3A, %broadcast_in_dim3A_93] : memref<16x17xf32, #tpu.memory_space<vmem>>[vector<16xi32>, vector<16xi32>], vector<16xf32>,
          %add3A_95 = arith.addf %add3A_79, %gather3A_94 : vector<16xf32>
          %broadcast_in_dim3A_96 = arith.constant 5 : i32
          %broadcast_in_dim3A_97 = vector.broadcast %broadcast_in_dim3A_96 : i32 to vector<16xi32>
          %gather3A_98 = tpu.vector_load_idx %arg12[%iota3A, %broadcast_in_dim3A_97] : memref<16x17xf32, #tpu.memory_space<vmem>>[vector<16xi32>, vector<16xi32>], vector<16xf32>,
          %add3A_99 = arith.addf %add3A_83, %gather3A_98 : vector<16xf32>
          %broadcast_in_dim3A_100 = arith.constant 6 : i32
          %broadcast_in_dim3A_101 = vector.broadcast %broadcast_in_dim3A_100 : i32 to vector<16xi32>
          %gather3A_102 = tpu.vector_load_idx %arg12[%iota3A, %broadcast_in_dim3A_101] : memref<16x17xf32, #tpu.memory_space<vmem>>[vector<16xi32>, vector<16xi32>], vector<16xf32>,
          %add3A_103 = arith.addf %add3A_87, %gather3A_102 : vector<16xf32>
          %broadcast_in_dim3A_104 = arith.constant 7 : i32
          %broadcast_in_dim3A_105 = vector.broadcast %broadcast_in_dim3A_104 : i32 to vector<16xi32>
          %gather3A_106 = tpu.vector_load_idx %arg12[%iota3A, %broadcast_in_dim3A_105] : memref<16x17xf32, #tpu.memory_space<vmem>>[vector<16xi32>, vector<16xi32>], vector<16xf32>,
          %add3A_107 = arith.addf %add3A_91, %gather3A_106 : vector<16xf32>
          %broadcast_in_dim3A_108 = arith.constant 8 : i32
          %broadcast_in_dim3A_109 = vector.broadcast %broadcast_in_dim3A_108 : i32 to vector<16xi32>
          %gather3A_110 = tpu.vector_load_idx %arg12[%iota3A, %broadcast_in_dim3A_109] : memref<16x17xf32, #tpu.memory_space<vmem>>[vector<16xi32>, vector<16xi32>], vector<16xf32>,
          %add3A_111 = arith.addf %add3A_95, %gather3A_110 : vector<16xf32>
          %broadcast_in_dim3A_112 = arith.constant 9 : i32
          %broadcast_in_dim3A_113 = vector.broadcast %broadcast_in_dim3A_112 : i32 to vector<16xi32>
          %gather3A_114 = tpu.vector_load_idx %arg12[%iota3A, %broadcast_in_dim3A_113] : memref<16x17xf32, #tpu.memory_space<vmem>>[vector<16xi32>, vector<16xi32>], vector<16xf32>,
          %add3A_115 = arith.addf %add3A_99, %gather3A_114 : vector<16xf32>
          %broadcast_in_dim3A_116 = arith.constant 10 : i32
          %broadcast_in_dim3A_117 = vector.broadcast %broadcast_in_dim3A_116 : i32 to vector<16xi32>
          %gather3A_118 = tpu.vector_load_idx %arg12[%iota3A, %broadcast_in_dim3A_117] : memref<16x17xf32, #tpu.memory_space<vmem>>[vector<16xi32>, vector<16xi32>], vector<16xf32>,
          %add3A_119 = arith.addf %add3A_103, %gather3A_118 : vector<16xf32>
          %broadcast_in_dim3A_120 = arith.constant 11 : i32
          %broadcast_in_dim3A_121 = vector.broadcast %broadcast_in_dim3A_120 : i32 to vector<16xi32>
          %gather3A_122 = tpu.vector_load_idx %arg12[%iota3A, %broadcast_in_dim3A_121] : memref<16x17xf32, #tpu.memory_space<vmem>>[vector<16xi32>, vector<16xi32>], vector<16xf32>,
          %add3A_123 = arith.addf %add3A_107, %gather3A_122 : vector<16xf32>
          %broadcast_in_dim3A_124 = arith.constant 12 : i32
          %broadcast_in_dim3A_125 = vector.broadcast %broadcast_in_dim3A_124 : i32 to vector<16xi32>
          %gather3A_126 = tpu.vector_load_idx %arg12[%iota3A, %broadcast_in_dim3A_125] : memref<16x17xf32, #tpu.memory_space<vmem>>[vector<16xi32>, vector<16xi32>], vector<16xf32>,
          %add3A_127 = arith.addf %add3A_111, %gather3A_126 : vector<16xf32>
          %broadcast_in_dim3A_128 = arith.constant 13 : i32
          %broadcast_in_dim3A_129 = vector.broadcast %broadcast_in_dim3A_128 : i32 to vector<16xi32>
          %gather3A_130 = tpu.vector_load_idx %arg12[%iota3A, %broadcast_in_dim3A_129] : memref<16x17xf32, #tpu.memory_space<vmem>>[vector<16xi32>, vector<16xi32>], vector<16xf32>,
          %add3A_131 = arith.addf %add3A_115, %gather3A_130 : vector<16xf32>
          %broadcast_in_dim3A_132 = arith.constant 14 : i32
          %broadcast_in_dim3A_133 = vector.broadcast %broadcast_in_dim3A_132 : i32 to vector<16xi32>
          %gather3A_134 = tpu.vector_load_idx %arg12[%iota3A, %broadcast_in_dim3A_133] : memref<16x17xf32, #tpu.memory_space<vmem>>[vector<16xi32>, vector<16xi32>], vector<16xf32>,
          %add3A_135 = arith.addf %add3A_119, %gather3A_134 : vector<16xf32>
          %broadcast_in_dim3A_136 = arith.constant 15 : i32
          %broadcast_in_dim3A_137 = vector.broadcast %broadcast_in_dim3A_136 : i32 to vector<16xi32>
          %gather3A_138 = tpu.vector_load_idx %arg12[%iota3A, %broadcast_in_dim3A_137] : memref<16x17xf32, #tpu.memory_space<vmem>>[vector<16xi32>, vector<16xi32>], vector<16xf32>,
          %add3A_139 = arith.addf %add3A_123, %gather3A_138 : vector<16xf32>
          %add3A_140 = arith.addf %add3A_127, %add3A_131 : vector<16xf32>
          %add3A_141 = arith.addf %add3A_135, %add3A_139 : vector<16xf32>
          %add3A_142 = arith.addf %add3A_140, %add3A_141 : vector<16xf32>
          %neg3A = arith.constant 0.000000e+00 : f32
          %neg3A_143 = vector.broadcast %neg3A : f32 to vector<16xf32>
          %neg3A_144 = arith.subf %neg3A_143, %add3A_142 : vector<16xf32>
          %exp3A = math.exp %neg3A_144 : vector<16xf32>
          %add3A_145 = arith.constant 1.000000e+00 : f32
          %add3A_146 = vector.broadcast %add3A_145 : f32 to vector<16xf32>
          %add3A_147 = arith.addf %add3A_146, %exp3A : vector<16xf32>
          %div3A = arith.constant 1.000000e+00 : f32
          %div3A_148 = vector.broadcast %div3A : f32 to vector<16xf32>
          %div3A_149 = arith.divf %div3A_148, %add3A_147 : vector<16xf32>
          %mul3A_150 = arith.constant 16 : i32
          %mul3A_151 = arith.muli %scan3A_67, %mul3A_150 : i32
          %add3A_152 = arith.addi %min3A_60, %mul3A_151 : i32
          %swap3A = arith.index_cast %add3A_152 : i32 to index
          %swap3A_153 = tpu.vector_load %arg7[%swap3A] {strides = array<i32>} : memref<5000xf32, #tpu.memory_space<vmem>>, vector<16xf32>,
          tpu.vector_store %arg7[%swap3A], %div3A_149 {strides = array<i32>} : memref<5000xf32, #tpu.memory_space<vmem>>, vector<16xf32>,
        }
        %scan3A_66 = arith.constant 8 : i32
      } else {
      }
      %mul3A_32 = arith.constant 2 : i32
      %mul3A_33 = arith.muli %scan3A_18, %mul3A_32 : i32
      %add3A_34 = arith.constant 1 : i32
      %add3A_35 = arith.addi %mul3A_33, %add3A_34 : i32
      %add3A_36 = arith.constant 1 : i32
      %add3A_37 = arith.addi %add3A_35, %add3A_36 : i32
      %lt3A_38 = arith.constant 40 : i32
      %lt3A_39 = arith.cmpi slt, %add3A_37, %lt3A_38 : i32
      %convert_element_type3A_40 = arith.extui %lt3A_39 : i1 to i32
      %cond3A_41 = arith.constant 0 : i32
      %cond3A_42 = arith.cmpi ne, %convert_element_type3A_40, %cond3A_41 : i32
      scf.if %cond3A_42 {
        %add3A_48 = arith.constant 1 : i32
        %add3A_49 = arith.addi %add3A_35, %add3A_48 : i32
        %mul3A_50 = arith.constant 128 : i32
        %mul3A_51 = arith.muli %add3A_49, %mul3A_50 : i32
        %min3A_52 = arith.constant 4872 : i32
        %min3A_53 = arith.minsi %mul3A_51, %min3A_52 : i32
        %dma_start3A_54 = tpu.memref_slice %arg5[%min3A_53] : memref<5000xi32, #tpu.memory_space<vmem>> -> memref<128xi32, #tpu.memory_space<vmem>>
        %dma_start3A_55 = arith.constant 0 : i32
        %dma_start3A_56 = arith.constant 0 : i32
        %dma_start3A_57 = tpu.memref_slice %arg2[%dma_start3A_55, %dma_start3A_56] : memref<10000x256xbf16, #tpu.memory_space<hbm>> -> memref<10000x256xbf16, #tpu.memory_space<hbm>>
        tpu.enqueue_indirect_dma source(%dma_start3A_57 : memref<10000x256xbf16, #tpu.memory_space<hbm>>) target(%arg8 : memref<128x256xbf16, #tpu.memory_space<vmem>>) offsets(%dma_start3A_54 : memref<128xi32, #tpu.memory_space<vmem>>) semaphore(%arg13 : memref<!tpu.dma_semaphore, #tpu.memory_space<semaphore_mem>>)
        %dma_start3A_58 = tpu.memref_slice %arg6[%min3A_53] : memref<5000xi32, #tpu.memory_space<vmem>> -> memref<128xi32, #tpu.memory_space<vmem>>
        %dma_start3A_59 = arith.constant 0 : i32
        %dma_start3A_60 = arith.constant 0 : i32
        %dma_start3A_61 = tpu.memref_slice %arg2[%dma_start3A_59, %dma_start3A_60] : memref<10000x256xbf16, #tpu.memory_space<hbm>> -> memref<10000x256xbf16, #tpu.memory_space<hbm>>
        tpu.enqueue_indirect_dma source(%dma_start3A_61 : memref<10000x256xbf16, #tpu.memory_space<hbm>>) target(%arg9 : memref<128x256xbf16, #tpu.memory_space<vmem>>) offsets(%dma_start3A_58 : memref<128xi32, #tpu.memory_space<vmem>>) semaphore(%arg13 : memref<!tpu.dma_semaphore, #tpu.memory_space<semaphore_mem>>)
      } else {
      }
      %lt3A_43 = arith.constant 40 : i32
      %lt3A_44 = arith.cmpi slt, %add3A_35, %lt3A_43 : i32
      %convert_element_type3A_45 = arith.extui %lt3A_44 : i1 to i32
      %cond3A_46 = arith.constant 0 : i32
      %cond3A_47 = arith.cmpi ne, %convert_element_type3A_45, %cond3A_46 : i32
      scf.if %cond3A_47 {
        %dma_wait3A = arith.constant 0 : i32
        %dma_wait3A_48 = tpu.memref_slice %arg5[%dma_wait3A] : memref<5000xi32, #tpu.memory_space<vmem>> -> memref<128xi32, #tpu.memory_space<vmem>>
        %dma_wait3A_49 = arith.constant 0 : i32
        %dma_wait3A_50 = arith.constant 0 : i32
        %dma_wait3A_51 = tpu.memref_slice %arg2[%dma_wait3A_49, %dma_wait3A_50] : memref<10000x256xbf16, #tpu.memory_space<hbm>> -> memref<10000x256xbf16, #tpu.memory_space<hbm>>
        tpu.wait_indirect_dma semaphore(%arg14 : memref<!tpu.dma_semaphore, #tpu.memory_space<semaphore_mem>>) src(%dma_wait3A_51 : memref<10000x256xbf16, #tpu.memory_space<hbm>>) dst(%arg10 : memref<128x256xbf16, #tpu.memory_space<vmem>>)
        %dma_wait3A_52 = arith.constant 0 : i32
        %dma_wait3A_53 = tpu.memref_slice %arg6[%dma_wait3A_52] : memref<5000xi32, #tpu.memory_space<vmem>> -> memref<128xi32, #tpu.memory_space<vmem>>
        %dma_wait3A_54 = arith.constant 0 : i32
        %dma_wait3A_55 = arith.constant 0 : i32
        %dma_wait3A_56 = tpu.memref_slice %arg2[%dma_wait3A_54, %dma_wait3A_55] : memref<10000x256xbf16, #tpu.memory_space<hbm>> -> memref<10000x256xbf16, #tpu.memory_space<hbm>>
        tpu.wait_indirect_dma semaphore(%arg14 : memref<!tpu.dma_semaphore, #tpu.memory_space<semaphore_mem>>) src(%dma_wait3A_56 : memref<10000x256xbf16, #tpu.memory_space<hbm>>) dst(%arg11 : memref<128x256xbf16, #tpu.memory_space<vmem>>)
        %mul3A_57 = arith.constant 128 : i32
        %mul3A_58 = arith.muli %add3A_35, %mul3A_57 : i32
        %min3A_59 = arith.constant 4872 : i32
        %min3A_60 = arith.minsi %mul3A_58, %min3A_59 : i32
        %scan3A_61 = arith.constant 0 : i32
        %scan3A_62 = arith.constant 0 : i32
        %scan3A_63 = arith.constant 8 : i32
        %scan3A_64 = arith.addi %scan3A_62, %scan3A_63 : i32
        %scan3A_65 = arith.constant 1 : i32
        scf.for %scan3A_67 = %scan3A_62 to %scan3A_64 step %scan3A_65  : i32 {
          %parallel_loop3A = arith.constant 0 : i32
          %parallel_loop3A_68 = arith.constant 16 : i32
          %parallel_loop3A_69 = arith.constant 1 : i32
          scf.for %parallel_loop3A_154 = %parallel_loop3A to %parallel_loop3A_68 step %parallel_loop3A_69  : i32 {
            %parallel_loop3A_155 = arith.constant 16 : i32
            %parallel_loop3A_156 = arith.muli %scan3A_67, %parallel_loop3A_155 : i32
            %parallel_loop3A_157 = arith.addi %parallel_loop3A_156, %parallel_loop3A_154 : i32
            %parallel_loop3A_158 = arith.constant 0.000000e+00 : f32
            %parallel_loop3A_159 = vector.broadcast %parallel_loop3A_158 : f32 to vector<16xf32>
            %parallel_loop3A_160 = arith.constant 0.000000e+00 : f32
            %parallel_loop3A_161 = vector.broadcast %parallel_loop3A_160 : f32 to vector<16xf32>
            %parallel_loop3A_162 = arith.constant 0.000000e+00 : f32
            %parallel_loop3A_163 = vector.broadcast %parallel_loop3A_162 : f32 to vector<16xf32>
            %parallel_loop3A_164 = arith.constant 0.000000e+00 : f32
            %parallel_loop3A_165 = vector.broadcast %parallel_loop3A_164 : f32 to vector<16xf32>
            %parallel_loop3A_166 = arith.constant 0.000000e+00 : f32
            %parallel_loop3A_167 = vector.broadcast %parallel_loop3A_166 : f32 to vector<16xf32>
            %parallel_loop3A_168 = arith.constant 0.000000e+00 : f32
            %parallel_loop3A_169 = vector.broadcast %parallel_loop3A_168 : f32 to vector<16xf32>
            %parallel_loop3A_170 = arith.constant 0.000000e+00 : f32
            %parallel_loop3A_171 = vector.broadcast %parallel_loop3A_170 : f32 to vector<16xf32>
            %parallel_loop3A_172 = arith.constant 0.000000e+00 : f32
            %parallel_loop3A_173 = vector.broadcast %parallel_loop3A_172 : f32 to vector<16xf32>
            %parallel_loop3A_174 = arith.index_cast %parallel_loop3A_157 : i32 to index
            %parallel_loop3A_175 = arith.constant 0 : index
            %parallel_loop3A_176 = tpu.vector_load %arg10[%parallel_loop3A_174, %parallel_loop3A_175] {strides = array<i32>} : memref<128x256xbf16, #tpu.memory_space<vmem>>, vector<32xbf16>,
            %parallel_loop3A_177 = arith.index_cast %parallel_loop3A_157 : i32 to index
            %parallel_loop3A_178 = arith.constant 0 : index
            %parallel_loop3A_179 = tpu.vector_load %arg11[%parallel_loop3A_177, %parallel_loop3A_178] {strides = array<i32>} : memref<128x256xbf16, #tpu.memory_space<vmem>>, vector<32xbf16>,
            %parallel_loop3A_180 = arith.mulf %parallel_loop3A_176, %parallel_loop3A_179 : vector<32xbf16>
            %parallel_loop3A_181 = tpu.unpack_subelements %parallel_loop3A_180, 0 {pack_format = #tpu.pack_format<interleaved>} : vector<32xbf16> -> vector<16xf32>
            %parallel_loop3A_182 = tpu.unpack_subelements %parallel_loop3A_180, 1 {pack_format = #tpu.pack_format<interleaved>} : vector<32xbf16> -> vector<16xf32>
            %parallel_loop3A_183 = arith.addf %parallel_loop3A_159, %parallel_loop3A_181 : vector<16xf32>
            %parallel_loop3A_184 = arith.addf %parallel_loop3A_161, %parallel_loop3A_182 : vector<16xf32>
            %parallel_loop3A_185 = arith.index_cast %parallel_loop3A_157 : i32 to index
            %parallel_loop3A_186 = arith.constant 32 : index
            %parallel_loop3A_187 = tpu.vector_load %arg10[%parallel_loop3A_185, %parallel_loop3A_186] {strides = array<i32>} : memref<128x256xbf16, #tpu.memory_space<vmem>>, vector<32xbf16>,
            %parallel_loop3A_188 = arith.index_cast %parallel_loop3A_157 : i32 to index
            %parallel_loop3A_189 = arith.constant 32 : index
            %parallel_loop3A_190 = tpu.vector_load %arg11[%parallel_loop3A_188, %parallel_loop3A_189] {strides = array<i32>} : memref<128x256xbf16, #tpu.memory_space<vmem>>, vector<32xbf16>,
            %parallel_loop3A_191 = arith.mulf %parallel_loop3A_187, %parallel_loop3A_190 : vector<32xbf16>
            %parallel_loop3A_192 = tpu.unpack_subelements %parallel_loop3A_191, 0 {pack_format = #tpu.pack_format<interleaved>} : vector<32xbf16> -> vector<16xf32>
            %parallel_loop3A_193 = tpu.unpack_subelements %parallel_loop3A_191, 1 {pack_format = #tpu.pack_format<interleaved>} : vector<32xbf16> -> vector<16xf32>
            %parallel_loop3A_194 = arith.addf %parallel_loop3A_163, %parallel_loop3A_192 : vector<16xf32>
            %parallel_loop3A_195 = arith.addf %parallel_loop3A_165, %parallel_loop3A_193 : vector<16xf32>
            %parallel_loop3A_196 = arith.index_cast %parallel_loop3A_157 : i32 to index
            %parallel_loop3A_197 = arith.constant 64 : index
            %parallel_loop3A_198 = tpu.vector_load %arg10[%parallel_loop3A_196, %parallel_loop3A_197] {strides = array<i32>} : memref<128x256xbf16, #tpu.memory_space<vmem>>, vector<32xbf16>,
            %parallel_loop3A_199 = arith.index_cast %parallel_loop3A_157 : i32 to index
            %parallel_loop3A_200 = arith.constant 64 : index
            %parallel_loop3A_201 = tpu.vector_load %arg11[%parallel_loop3A_199, %parallel_loop3A_200] {strides = array<i32>} : memref<128x256xbf16, #tpu.memory_space<vmem>>, vector<32xbf16>,
            %parallel_loop3A_202 = arith.mulf %parallel_loop3A_198, %parallel_loop3A_201 : vector<32xbf16>
            %parallel_loop3A_203 = tpu.unpack_subelements %parallel_loop3A_202, 0 {pack_format = #tpu.pack_format<interleaved>} : vector<32xbf16> -> vector<16xf32>
            %parallel_loop3A_204 = tpu.unpack_subelements %parallel_loop3A_202, 1 {pack_format = #tpu.pack_format<interleaved>} : vector<32xbf16> -> vector<16xf32>
            %parallel_loop3A_205 = arith.addf %parallel_loop3A_167, %parallel_loop3A_203 : vector<16xf32>
            %parallel_loop3A_206 = arith.addf %parallel_loop3A_169, %parallel_loop3A_204 : vector<16xf32>
            %parallel_loop3A_207 = arith.index_cast %parallel_loop3A_157 : i32 to index
            %parallel_loop3A_208 = arith.constant 96 : index
            %parallel_loop3A_209 = tpu.vector_load %arg10[%parallel_loop3A_207, %parallel_loop3A_208] {strides = array<i32>} : memref<128x256xbf16, #tpu.memory_space<vmem>>, vector<32xbf16>,
            %parallel_loop3A_210 = arith.index_cast %parallel_loop3A_157 : i32 to index
            %parallel_loop3A_211 = arith.constant 96 : index
            %parallel_loop3A_212 = tpu.vector_load %arg11[%parallel_loop3A_210, %parallel_loop3A_211] {strides = array<i32>} : memref<128x256xbf16, #tpu.memory_space<vmem>>, vector<32xbf16>,
            %parallel_loop3A_213 = arith.mulf %parallel_loop3A_209, %parallel_loop3A_212 : vector<32xbf16>
            %parallel_loop3A_214 = tpu.unpack_subelements %parallel_loop3A_213, 0 {pack_format = #tpu.pack_format<interleaved>} : vector<32xbf16> -> vector<16xf32>
            %parallel_loop3A_215 = tpu.unpack_subelements %parallel_loop3A_213, 1 {pack_format = #tpu.pack_format<interleaved>} : vector<32xbf16> -> vector<16xf32>
            %parallel_loop3A_216 = arith.addf %parallel_loop3A_171, %parallel_loop3A_214 : vector<16xf32>
            %parallel_loop3A_217 = arith.addf %parallel_loop3A_173, %parallel_loop3A_215 : vector<16xf32>
            %parallel_loop3A_218 = arith.index_cast %parallel_loop3A_157 : i32 to index
            %parallel_loop3A_219 = arith.constant 128 : index
            %parallel_loop3A_220 = tpu.vector_load %arg10[%parallel_loop3A_218, %parallel_loop3A_219] {strides = array<i32>} : memref<128x256xbf16, #tpu.memory_space<vmem>>, vector<32xbf16>,
            %parallel_loop3A_221 = arith.index_cast %parallel_loop3A_157 : i32 to index
            %parallel_loop3A_222 = arith.constant 128 : index
            %parallel_loop3A_223 = tpu.vector_load %arg11[%parallel_loop3A_221, %parallel_loop3A_222] {strides = array<i32>} : memref<128x256xbf16, #tpu.memory_space<vmem>>, vector<32xbf16>,
            %parallel_loop3A_224 = arith.mulf %parallel_loop3A_220, %parallel_loop3A_223 : vector<32xbf16>
            %parallel_loop3A_225 = tpu.unpack_subelements %parallel_loop3A_224, 0 {pack_format = #tpu.pack_format<interleaved>} : vector<32xbf16> -> vector<16xf32>
            %parallel_loop3A_226 = tpu.unpack_subelements %parallel_loop3A_224, 1 {pack_format = #tpu.pack_format<interleaved>} : vector<32xbf16> -> vector<16xf32>
            %parallel_loop3A_227 = arith.addf %parallel_loop3A_183, %parallel_loop3A_225 : vector<16xf32>
            %parallel_loop3A_228 = arith.addf %parallel_loop3A_184, %parallel_loop3A_226 : vector<16xf32>
            %parallel_loop3A_229 = arith.index_cast %parallel_loop3A_157 : i32 to index
            %parallel_loop3A_230 = arith.constant 160 : index
            %parallel_loop3A_231 = tpu.vector_load %arg10[%parallel_loop3A_229, %parallel_loop3A_230] {strides = array<i32>} : memref<128x256xbf16, #tpu.memory_space<vmem>>, vector<32xbf16>,
            %parallel_loop3A_232 = arith.index_cast %parallel_loop3A_157 : i32 to index
            %parallel_loop3A_233 = arith.constant 160 : index
            %parallel_loop3A_234 = tpu.vector_load %arg11[%parallel_loop3A_232, %parallel_loop3A_233] {strides = array<i32>} : memref<128x256xbf16, #tpu.memory_space<vmem>>, vector<32xbf16>,
            %parallel_loop3A_235 = arith.mulf %parallel_loop3A_231, %parallel_loop3A_234 : vector<32xbf16>
            %parallel_loop3A_236 = tpu.unpack_subelements %parallel_loop3A_235, 0 {pack_format = #tpu.pack_format<interleaved>} : vector<32xbf16> -> vector<16xf32>
            %parallel_loop3A_237 = tpu.unpack_subelements %parallel_loop3A_235, 1 {pack_format = #tpu.pack_format<interleaved>} : vector<32xbf16> -> vector<16xf32>
            %parallel_loop3A_238 = arith.addf %parallel_loop3A_194, %parallel_loop3A_236 : vector<16xf32>
            %parallel_loop3A_239 = arith.addf %parallel_loop3A_195, %parallel_loop3A_237 : vector<16xf32>
            %parallel_loop3A_240 = arith.index_cast %parallel_loop3A_157 : i32 to index
            %parallel_loop3A_241 = arith.constant 192 : index
            %parallel_loop3A_242 = tpu.vector_load %arg10[%parallel_loop3A_240, %parallel_loop3A_241] {strides = array<i32>} : memref<128x256xbf16, #tpu.memory_space<vmem>>, vector<32xbf16>,
            %parallel_loop3A_243 = arith.index_cast %parallel_loop3A_157 : i32 to index
            %parallel_loop3A_244 = arith.constant 192 : index
            %parallel_loop3A_245 = tpu.vector_load %arg11[%parallel_loop3A_243, %parallel_loop3A_244] {strides = array<i32>} : memref<128x256xbf16, #tpu.memory_space<vmem>>, vector<32xbf16>,
            %parallel_loop3A_246 = arith.mulf %parallel_loop3A_242, %parallel_loop3A_245 : vector<32xbf16>
            %parallel_loop3A_247 = tpu.unpack_subelements %parallel_loop3A_246, 0 {pack_format = #tpu.pack_format<interleaved>} : vector<32xbf16> -> vector<16xf32>
            %parallel_loop3A_248 = tpu.unpack_subelements %parallel_loop3A_246, 1 {pack_format = #tpu.pack_format<interleaved>} : vector<32xbf16> -> vector<16xf32>
            %parallel_loop3A_249 = arith.addf %parallel_loop3A_205, %parallel_loop3A_247 : vector<16xf32>
            %parallel_loop3A_250 = arith.addf %parallel_loop3A_206, %parallel_loop3A_248 : vector<16xf32>
            %parallel_loop3A_251 = arith.index_cast %parallel_loop3A_157 : i32 to index
            %parallel_loop3A_252 = arith.constant 224 : index
            %parallel_loop3A_253 = tpu.vector_load %arg10[%parallel_loop3A_251, %parallel_loop3A_252] {strides = array<i32>} : memref<128x256xbf16, #tpu.memory_space<vmem>>, vector<32xbf16>,
            %parallel_loop3A_254 = arith.index_cast %parallel_loop3A_157 : i32 to index
            %parallel_loop3A_255 = arith.constant 224 : index
            %parallel_loop3A_256 = tpu.vector_load %arg11[%parallel_loop3A_254, %parallel_loop3A_255] {strides = array<i32>} : memref<128x256xbf16, #tpu.memory_space<vmem>>, vector<32xbf16>,
            %parallel_loop3A_257 = arith.mulf %parallel_loop3A_253, %parallel_loop3A_256 : vector<32xbf16>
            %parallel_loop3A_258 = tpu.unpack_subelements %parallel_loop3A_257, 0 {pack_format = #tpu.pack_format<interleaved>} : vector<32xbf16> -> vector<16xf32>
            %parallel_loop3A_259 = tpu.unpack_subelements %parallel_loop3A_257, 1 {pack_format = #tpu.pack_format<interleaved>} : vector<32xbf16> -> vector<16xf32>
            %parallel_loop3A_260 = arith.addf %parallel_loop3A_216, %parallel_loop3A_258 : vector<16xf32>
            %parallel_loop3A_261 = arith.addf %parallel_loop3A_217, %parallel_loop3A_259 : vector<16xf32>
            %parallel_loop3A_262 = arith.addf %parallel_loop3A_227, %parallel_loop3A_228 : vector<16xf32>
            %parallel_loop3A_263 = arith.addf %parallel_loop3A_238, %parallel_loop3A_239 : vector<16xf32>
            %parallel_loop3A_264 = arith.addf %parallel_loop3A_249, %parallel_loop3A_250 : vector<16xf32>
            %parallel_loop3A_265 = arith.addf %parallel_loop3A_260, %parallel_loop3A_261 : vector<16xf32>
            %parallel_loop3A_266 = arith.addf %parallel_loop3A_262, %parallel_loop3A_263 : vector<16xf32>
            %parallel_loop3A_267 = arith.addf %parallel_loop3A_264, %parallel_loop3A_265 : vector<16xf32>
            %parallel_loop3A_268 = arith.addf %parallel_loop3A_266, %parallel_loop3A_267 : vector<16xf32>
            %parallel_loop3A_269 = arith.index_cast %parallel_loop3A_154 : i32 to index
            %parallel_loop3A_270 = arith.constant 0 : index
            %parallel_loop3A_271 = tpu.vector_load %arg12[%parallel_loop3A_269, %parallel_loop3A_270] {strides = array<i32>} : memref<16x17xf32, #tpu.memory_space<vmem>>, vector<16xf32>,
            tpu.vector_store %arg12[%parallel_loop3A_269, %parallel_loop3A_270], %parallel_loop3A_268 {strides = array<i32>} : memref<16x17xf32, #tpu.memory_space<vmem>>, vector<16xf32>,
          } {sc.loop_unroll_factor = 2 : i64, sc.parallel_access}
          %broadcast_in_dim3A = arith.constant 0.000000e+00 : f32
          %broadcast_in_dim3A_70 = vector.broadcast %broadcast_in_dim3A : f32 to vector<16xf32>
          %broadcast_in_dim3A_71 = arith.constant 0.000000e+00 : f32
          %broadcast_in_dim3A_72 = vector.broadcast %broadcast_in_dim3A_71 : f32 to vector<16xf32>
          %broadcast_in_dim3A_73 = arith.constant 0.000000e+00 : f32
          %broadcast_in_dim3A_74 = vector.broadcast %broadcast_in_dim3A_73 : f32 to vector<16xf32>
          %broadcast_in_dim3A_75 = arith.constant 0.000000e+00 : f32
          %broadcast_in_dim3A_76 = vector.broadcast %broadcast_in_dim3A_75 : f32 to vector<16xf32>
          %broadcast_in_dim3A_77 = arith.constant 0 : i32
          %broadcast_in_dim3A_78 = vector.broadcast %broadcast_in_dim3A_77 : i32 to vector<16xi32>
          %gather3A = tpu.vector_load_idx %arg12[%iota3A, %broadcast_in_dim3A_78] : memref<16x17xf32, #tpu.memory_space<vmem>>[vector<16xi32>, vector<16xi32>], vector<16xf32>,
          %add3A_79 = arith.addf %broadcast_in_dim3A_70, %gather3A : vector<16xf32>
          %broadcast_in_dim3A_80 = arith.constant 1 : i32
          %broadcast_in_dim3A_81 = vector.broadcast %broadcast_in_dim3A_80 : i32 to vector<16xi32>
          %gather3A_82 = tpu.vector_load_idx %arg12[%iota3A, %broadcast_in_dim3A_81] : memref<16x17xf32, #tpu.memory_space<vmem>>[vector<16xi32>, vector<16xi32>], vector<16xf32>,
          %add3A_83 = arith.addf %broadcast_in_dim3A_72, %gather3A_82 : vector<16xf32>
          %broadcast_in_dim3A_84 = arith.constant 2 : i32
          %broadcast_in_dim3A_85 = vector.broadcast %broadcast_in_dim3A_84 : i32 to vector<16xi32>
          %gather3A_86 = tpu.vector_load_idx %arg12[%iota3A, %broadcast_in_dim3A_85] : memref<16x17xf32, #tpu.memory_space<vmem>>[vector<16xi32>, vector<16xi32>], vector<16xf32>,
          %add3A_87 = arith.addf %broadcast_in_dim3A_74, %gather3A_86 : vector<16xf32>
          %broadcast_in_dim3A_88 = arith.constant 3 : i32
          %broadcast_in_dim3A_89 = vector.broadcast %broadcast_in_dim3A_88 : i32 to vector<16xi32>
          %gather3A_90 = tpu.vector_load_idx %arg12[%iota3A, %broadcast_in_dim3A_89] : memref<16x17xf32, #tpu.memory_space<vmem>>[vector<16xi32>, vector<16xi32>], vector<16xf32>,
          %add3A_91 = arith.addf %broadcast_in_dim3A_76, %gather3A_90 : vector<16xf32>
          %broadcast_in_dim3A_92 = arith.constant 4 : i32
          %broadcast_in_dim3A_93 = vector.broadcast %broadcast_in_dim3A_92 : i32 to vector<16xi32>
          %gather3A_94 = tpu.vector_load_idx %arg12[%iota3A, %broadcast_in_dim3A_93] : memref<16x17xf32, #tpu.memory_space<vmem>>[vector<16xi32>, vector<16xi32>], vector<16xf32>,
          %add3A_95 = arith.addf %add3A_79, %gather3A_94 : vector<16xf32>
          %broadcast_in_dim3A_96 = arith.constant 5 : i32
          %broadcast_in_dim3A_97 = vector.broadcast %broadcast_in_dim3A_96 : i32 to vector<16xi32>
          %gather3A_98 = tpu.vector_load_idx %arg12[%iota3A, %broadcast_in_dim3A_97] : memref<16x17xf32, #tpu.memory_space<vmem>>[vector<16xi32>, vector<16xi32>], vector<16xf32>,
          %add3A_99 = arith.addf %add3A_83, %gather3A_98 : vector<16xf32>
          %broadcast_in_dim3A_100 = arith.constant 6 : i32
          %broadcast_in_dim3A_101 = vector.broadcast %broadcast_in_dim3A_100 : i32 to vector<16xi32>
          %gather3A_102 = tpu.vector_load_idx %arg12[%iota3A, %broadcast_in_dim3A_101] : memref<16x17xf32, #tpu.memory_space<vmem>>[vector<16xi32>, vector<16xi32>], vector<16xf32>,
          %add3A_103 = arith.addf %add3A_87, %gather3A_102 : vector<16xf32>
          %broadcast_in_dim3A_104 = arith.constant 7 : i32
          %broadcast_in_dim3A_105 = vector.broadcast %broadcast_in_dim3A_104 : i32 to vector<16xi32>
          %gather3A_106 = tpu.vector_load_idx %arg12[%iota3A, %broadcast_in_dim3A_105] : memref<16x17xf32, #tpu.memory_space<vmem>>[vector<16xi32>, vector<16xi32>], vector<16xf32>,
          %add3A_107 = arith.addf %add3A_91, %gather3A_106 : vector<16xf32>
          %broadcast_in_dim3A_108 = arith.constant 8 : i32
          %broadcast_in_dim3A_109 = vector.broadcast %broadcast_in_dim3A_108 : i32 to vector<16xi32>
          %gather3A_110 = tpu.vector_load_idx %arg12[%iota3A, %broadcast_in_dim3A_109] : memref<16x17xf32, #tpu.memory_space<vmem>>[vector<16xi32>, vector<16xi32>], vector<16xf32>,
          %add3A_111 = arith.addf %add3A_95, %gather3A_110 : vector<16xf32>
          %broadcast_in_dim3A_112 = arith.constant 9 : i32
          %broadcast_in_dim3A_113 = vector.broadcast %broadcast_in_dim3A_112 : i32 to vector<16xi32>
          %gather3A_114 = tpu.vector_load_idx %arg12[%iota3A, %broadcast_in_dim3A_113] : memref<16x17xf32, #tpu.memory_space<vmem>>[vector<16xi32>, vector<16xi32>], vector<16xf32>,
          %add3A_115 = arith.addf %add3A_99, %gather3A_114 : vector<16xf32>
          %broadcast_in_dim3A_116 = arith.constant 10 : i32
          %broadcast_in_dim3A_117 = vector.broadcast %broadcast_in_dim3A_116 : i32 to vector<16xi32>
          %gather3A_118 = tpu.vector_load_idx %arg12[%iota3A, %broadcast_in_dim3A_117] : memref<16x17xf32, #tpu.memory_space<vmem>>[vector<16xi32>, vector<16xi32>], vector<16xf32>,
          %add3A_119 = arith.addf %add3A_103, %gather3A_118 : vector<16xf32>
          %broadcast_in_dim3A_120 = arith.constant 11 : i32
          %broadcast_in_dim3A_121 = vector.broadcast %broadcast_in_dim3A_120 : i32 to vector<16xi32>
          %gather3A_122 = tpu.vector_load_idx %arg12[%iota3A, %broadcast_in_dim3A_121] : memref<16x17xf32, #tpu.memory_space<vmem>>[vector<16xi32>, vector<16xi32>], vector<16xf32>,
          %add3A_123 = arith.addf %add3A_107, %gather3A_122 : vector<16xf32>
          %broadcast_in_dim3A_124 = arith.constant 12 : i32
          %broadcast_in_dim3A_125 = vector.broadcast %broadcast_in_dim3A_124 : i32 to vector<16xi32>
          %gather3A_126 = tpu.vector_load_idx %arg12[%iota3A, %broadcast_in_dim3A_125] : memref<16x17xf32, #tpu.memory_space<vmem>>[vector<16xi32>, vector<16xi32>], vector<16xf32>,
          %add3A_127 = arith.addf %add3A_111, %gather3A_126 : vector<16xf32>
          %broadcast_in_dim3A_128 = arith.constant 13 : i32
          %broadcast_in_dim3A_129 = vector.broadcast %broadcast_in_dim3A_128 : i32 to vector<16xi32>
          %gather3A_130 = tpu.vector_load_idx %arg12[%iota3A, %broadcast_in_dim3A_129] : memref<16x17xf32, #tpu.memory_space<vmem>>[vector<16xi32>, vector<16xi32>], vector<16xf32>,
          %add3A_131 = arith.addf %add3A_115, %gather3A_130 : vector<16xf32>
          %broadcast_in_dim3A_132 = arith.constant 14 : i32
          %broadcast_in_dim3A_133 = vector.broadcast %broadcast_in_dim3A_132 : i32 to vector<16xi32>
          %gather3A_134 = tpu.vector_load_idx %arg12[%iota3A, %broadcast_in_dim3A_133] : memref<16x17xf32, #tpu.memory_space<vmem>>[vector<16xi32>, vector<16xi32>], vector<16xf32>,
          %add3A_135 = arith.addf %add3A_119, %gather3A_134 : vector<16xf32>
          %broadcast_in_dim3A_136 = arith.constant 15 : i32
          %broadcast_in_dim3A_137 = vector.broadcast %broadcast_in_dim3A_136 : i32 to vector<16xi32>
          %gather3A_138 = tpu.vector_load_idx %arg12[%iota3A, %broadcast_in_dim3A_137] : memref<16x17xf32, #tpu.memory_space<vmem>>[vector<16xi32>, vector<16xi32>], vector<16xf32>,
          %add3A_139 = arith.addf %add3A_123, %gather3A_138 : vector<16xf32>
          %add3A_140 = arith.addf %add3A_127, %add3A_131 : vector<16xf32>
          %add3A_141 = arith.addf %add3A_135, %add3A_139 : vector<16xf32>
          %add3A_142 = arith.addf %add3A_140, %add3A_141 : vector<16xf32>
          %neg3A = arith.constant 0.000000e+00 : f32
          %neg3A_143 = vector.broadcast %neg3A : f32 to vector<16xf32>
          %neg3A_144 = arith.subf %neg3A_143, %add3A_142 : vector<16xf32>
          %exp3A = math.exp %neg3A_144 : vector<16xf32>
          %add3A_145 = arith.constant 1.000000e+00 : f32
          %add3A_146 = vector.broadcast %add3A_145 : f32 to vector<16xf32>
          %add3A_147 = arith.addf %add3A_146, %exp3A : vector<16xf32>
          %div3A = arith.constant 1.000000e+00 : f32
          %div3A_148 = vector.broadcast %div3A : f32 to vector<16xf32>
          %div3A_149 = arith.divf %div3A_148, %add3A_147 : vector<16xf32>
          %mul3A_150 = arith.constant 16 : i32
          %mul3A_151 = arith.muli %scan3A_67, %mul3A_150 : i32
          %add3A_152 = arith.addi %min3A_60, %mul3A_151 : i32
          %swap3A = arith.index_cast %add3A_152 : i32 to index
          %swap3A_153 = tpu.vector_load %arg7[%swap3A] {strides = array<i32>} : memref<5000xf32, #tpu.memory_space<vmem>>, vector<16xf32>,
          tpu.vector_store %arg7[%swap3A], %div3A_149 {strides = array<i32>} : memref<5000xf32, #tpu.memory_space<vmem>>, vector<16xf32>,
        }
        %scan3A_66 = arith.constant 8 : i32
      } else {
      }
    }
    %scan3A_17 = arith.constant 20 : i32
    "tpu.region"() ({
      %run_scoped3A_18 = tpu.sem_alloc : memref<!tpu.dma_semaphore, #tpu.memory_space<semaphore_mem>>
      %dma_start3A_19 = tpu.memref_slice %arg4[%mul3A_2] : memref<160000xf32, #tpu.memory_space<hbm>> -> memref<5000xf32, #tpu.memory_space<hbm>>
      %dma_start3A_20 = tpu.memref_slice %arg4[%mul3A_2] : memref<160000xf32, #tpu.memory_space<hbm>> -> memref<5000xf32, #tpu.memory_space<hbm>>
      tpu.enqueue_dma source(%arg7 : memref<5000xf32, #tpu.memory_space<vmem>>) target(%dma_start3A_20 : memref<5000xf32, #tpu.memory_space<hbm>>) target_semaphore(%run_scoped3A_18 : memref<!tpu.dma_semaphore, #tpu.memory_space<semaphore_mem>>)
      %dma_wait3A = tpu.memref_slice %arg4[%mul3A_2] : memref<160000xf32, #tpu.memory_space<hbm>> -> memref<5000xf32, #tpu.memory_space<hbm>>
      %dma_wait3A_21 = tpu.memref_slice %arg4[%mul3A_2] : memref<160000xf32, #tpu.memory_space<hbm>> -> memref<5000xf32, #tpu.memory_space<hbm>>
      tpu.wait_dma2 semaphore(%run_scoped3A_18 : memref<!tpu.dma_semaphore, #tpu.memory_space<semaphore_mem>>) src(%arg7 : memref<5000xf32, #tpu.memory_space<vmem>>) dst(%dma_wait3A_21 : memref<5000xf32, #tpu.memory_space<hbm>>)
      tpu.yield
    }) : () -> ()
    return
  }
}

</mosaic_0001>

<sc_bundles>
// kernel: kernel.3.cloned.1.call-start
scs
__scs_entry_jumppad:
0x0: {  	(pc) =	sbr.rel $0x88, $3  }
0x1: {  	(tag) =	ssettag $0x0;
	lr =	simm.s32 $0x1  }
0x2: {  	[smem:$0x3F9F] =	sst lr;
	_ =	strace $0xD0000000  }
0x3: {  	_ = 	snop  }
0x4: {  	_ = 	snop  }
0x5: {  	_ = 	snop  }
0x6: {  	_ = 	snop  }
0x7: {  	_ = 	snop  }
__scs_overlays_trampoline_lowered:
0x8: {  	[smem:$0x3FAE] =	sst s0  }
0x9: {  	[smem:$0x3FAF] =	sst s1  }
0xa: {  	[smem:$0x3FB0] =	sst s2  }
0xb: {  	[smem:$0x3FB1] =	sst s3  }
0xc: {  	[smem:$0x3FB2] =	sst s4  }
0xd: {  	[smem:$0x3FB3] =	sst s5  }
0xe: {  	[smem:$0x3FB4] =	sst s6  }
0xf: {  	[smem:$0x3FB5] =	sst s7  }
0x10: {  	[smem:$0x3FB6] =	sst s8  }
0x11: {  	[smem:$0x3FB7] =	sst s9;
	s0 =	simm.s32 @!p0 $0x0  }
0x12: {  	s1 =	sld [smem:$0x3F9D];
	s0 =	simm.s32 @p0 $0x1  }
0x13: {  	[smem:$0x3FB8] =	sst s0;
	s0 =	simm.s32 @!p1 $0x0  }
0x14: {  	s2 =	sld [smem:$0x3F9C];
	s0 =	simm.s32 @p1 $0x1  }
0x15: {  	[smem:$0x3FB9] =	sst s0;
	s0 =	simm.s32 @!p2 $0x0  }
0x16: {  	s3 =	sld [smem:$0x3FDB];
	s0 =	simm.s32 @p2 $0x1  }
0x17: {  	s4 =	simm.s32 $0x1BF5;
	[smem:$0x3FBB] =	sst s0  }
0x18: {  	s0 =	sld [smem:$0x3F9E];
	_ =	swait.ge [sflag:s4], $0x0  }
0x19: {  	s7 =	sld [smem:$0x3F9F]  }
0x1a: {  	s8 =	sadd.s32 $0xFFFFE003, lr  }
0x1b: {  	s9 =	sadd.s32 $0xFFFFFEF7, lr;
	s5 =	simm.s32 $0xFFFFFFFF;
	p2 =	slt.u32 s8, $0xFFFFF086  }
0x1c: {  	p1 =	slt.u32 s9, $0xF7A;
	s5 =	simm.s32 @!p2 $0x0  }
0x1d: {  	s5 =	simm.s32 @p1 $0x1;
	p0 =	seq.s32 s7, s2  }
0x1e: {  	s7 =	smul.u32 @!p0 $0xF7A, s2;
	p2 =	seq.s32 @!p0 s5, $0x0  }
0x1f: {  	s9 =	smul.u32 $0xF7A, s1;
	s8 =	simm.s32 @!p0 $0x1BF5;
	p2 =	por !p2, p0  }
0x20: {  	[sflag:s8] =	ssyncset.s32 @!p0 $0xFFFFF086;
	s6 =	sadd.s32 @!p0 s3, s7;
	s7 =	simm.s32 @!p0 $0x108  }
0x21: {  	s3 =	sadd.s32 s3, s9;
	s6 =	sadd.s32 @!p0 $0x88, s6;
	s7 =	simm.s32 @p2 $0x1082  }
0x22: {  	[simem:s7], [sflag:s8] =	dma.local @!p0 [hbm:s6], $0xF7A  }
0x23: {  	s9 =	sor.u32 $0xD0000000, s2;
	s6 =	simm.s32 $0x108;
	_ =	swait.ge @!p0 [sflag:s8], $0x0  }
0x24: {  	s3 =	sadd.s32 $0x88, s3;
	s6 =	simm.s32 @!p1 $0x1082;
	[sflag:s4] =	ssyncset.s32 $0xFFFFF086  }
0x25: {  	[simem:s6], [sflag:s4] =	dma.local [hbm:s3], $0xF7A  }
0x26: {  	[smem:$0x3F9F] =	sst s1;
	(tag) =	ssettag s2;
	_ =	strace s9  }
0x27: {  	s1 =	sld [smem:$0x3FAF]  }
0x28: {  	s2 =	sld [smem:$0x3FB0]  }
0x29: {  	s4 =	sld [smem:$0x3FB2]  }
0x2a: {  	p0 =	seq.s32 s5, $0x0;
	s5 =	sld [smem:$0x3FB3]  }
0x2b: {  	s6 =	sld [smem:$0x3FB4]  }
0x2c: {  	s7 =	sld [smem:$0x3FB5]  }
0x2d: {  	s3 =	simm.s32 $0x108;
	s8 =	sld [smem:$0x3FB6]  }
0x2e: {  	s3 =	simm.s32 @!p0 $0x1082;
	s9 =	sld [smem:$0x3FB7]  }
0x2f: {  	lr =	sadd.s32 s0, s3;
	s0 =	sld [smem:$0x3FAE]  }
0x30: {  	s3 =	sld [smem:$0x3FB1]  }
0x31: {  	[smem:$0x3FBA] =	sst s10  }
0x32: {  	s10 =	sld [smem:$0x3FB8];
	_ =	sdelay $0x3  }
0x33: {  	p0 =	seq.s32 s10, $0x1;
	s10 =	sld [smem:$0x3FBA];
	_ =	sdelay $0x3  }
0x34: {  	[smem:$0x3FBA] =	sst s10  }
0x35: {  	s10 =	sld [smem:$0x3FB9];
	_ =	sdelay $0x3  }
0x36: {  	p1 =	seq.s32 s10, $0x1;
	s10 =	sld [smem:$0x3FBA];
	_ =	sdelay $0x3  }
0x37: {  	[smem:$0x3FBA] =	sst s10  }
0x38: {  	s10 =	sld [smem:$0x3FBB]  }
0x39: {  	_ = 	snop;
	(pc) =	sbr.ind lr, $3  }
0x3a: {  	_ = 	snop  }
0x3b: {  	_ = 	snop  }
0x3c: {  	p2 =	seq.s32 s10, $0x1;
	s10 =	sld [smem:$0x3FBA]  }
0x3d: {  	_ =	shalt  }
0x3e: {  	_ =	shalt  }
0x3f: {  	_ =	shalt  }
0x40: {  	_ =	shalt  }
0x41: {  	_ =	shalt  }
0x42: {  	_ =	shalt  }
0x43: {  	_ =	shalt  }
0x44: {  	_ =	shalt  }
0x45: {  	_ =	shalt  }
0x46: {  	_ =	shalt  }
0x47: {  	_ =	shalt  }
0x48: {  	_ =	shalt  }
0x49: {  	_ =	shalt  }
0x4a: {  	_ =	shalt  }
0x4b: {  	_ =	shalt  }
0x4c: {  	_ =	shalt  }
0x4d: {  	_ =	shalt  }
0x4e: {  	_ =	shalt  }
0x4f: {  	_ =	shalt  }
0x50: {  	_ =	shalt  }
0x51: {  	_ =	shalt  }
0x52: {  	_ =	shalt  }
0x53: {  	_ =	shalt  }
0x54: {  	_ =	shalt  }
0x55: {  	_ =	shalt  }
0x56: {  	_ =	shalt  }
0x57: {  	_ =	shalt  }
0x58: {  	_ =	shalt  }
0x59: {  	_ =	shalt  }
0x5a: {  	_ =	shalt  }
0x5b: {  	_ =	shalt  }
0x5c: {  	_ =	shalt  }
0x5d: {  	_ =	shalt  }
0x5e: {  	_ =	shalt  }
0x5f: {  	_ =	shalt  }
0x60: {  	_ =	shalt  }
0x61: {  	_ =	shalt  }
0x62: {  	_ =	shalt  }
0x63: {  	_ =	shalt  }
0x64: {  	_ =	shalt  }
0x65: {  	_ =	shalt  }
0x66: {  	_ =	shalt  }
0x67: {  	_ =	shalt  }
0x68: {  	_ =	shalt  }
0x69: {  	_ =	shalt  }
0x6a: {  	_ =	shalt  }
0x6b: {  	_ =	shalt  }
0x6c: {  	_ =	shalt  }
0x6d: {  	_ =	shalt  }
0x6e: {  	_ =	shalt  }
0x6f: {  	_ =	shalt  }
0x70: {  	_ =	shalt  }
0x71: {  	_ =	shalt  }
0x72: {  	_ =	shalt  }
0x73: {  	_ =	shalt  }
0x74: {  	_ =	shalt  }
0x75: {  	_ =	shalt  }
0x76: {  	_ =	shalt  }
0x77: {  	_ =	shalt  }
0x78: {  	_ =	shalt  }
0x79: {  	_ =	shalt  }
0x7a: {  	_ =	shalt  }
0x7b: {  	_ =	shalt  }
0x7c: {  	_ =	shalt  }
0x7d: {  	_ =	shalt  }
0x7e: {  	_ =	shalt  }
0x7f: {  	_ =	shalt  }
0x80: {  	_ =	shalt  }
0x81: {  	_ =	shalt  }
0x82: {  	_ =	shalt  }
0x83: {  	_ =	shalt  }
0x84: {  	_ =	shalt  }
0x85: {  	_ =	shalt  }
0x86: {  	_ =	shalt  }
0x87: {  	_ =	shalt  }
.Lfunc_end0:
.L_simem_size_0:
called_computation_lowered:
.L_overlay_start_0:
0x88: {  	s2 =	sld [smem:$0x3FD9]  }
0x89: {  	s3 =	sld [smem:$0x3FFE];
	_ =	sdelay $0x1  }
0x8a: {  	s1 =	srdreg.scid  }
0x8b: {  	s0 =	sand.u32 $0x1, s1  }
0x8c: {  	s17 =	sshll.u32 s0, $0xA;
	s2 =	sadd.s32 s3, s2  }
0x8d: {  	s2 =	sadd.s32 s2, s17  }
0x8e: {  	[smem:$0x3FC6] =	sst s2  }
0x8f: {  	_ = 	snop  }
0x90: {  	s2 =	sld [smem:$0x3FD0];
	(tm) =	ssettm $0x1  }
0x91: {  	s18 =	sld [smem:$0x3FFB];
	_ =	sdelay $0x3  }
0x92: {  	_ =	strace s18  }
0x93: {  	s3 =	sld [smem:$0x3FFC];
	_ =	sdelay $0x3  }
0x94: {  	_ =	strace s3  }
0x95: {  	s3 =	sld [smem:$0x3FFD];
	_ =	sdelay $0x3  }
0x96: {  	_ =	strace s3  }
0x97: {  	_ =	strace $0x8FFFFFFF  }
0x98: {  	s19 =	sld [smem:$0x3FDB];
	_ =	sdelay $0x1  }
0x99: {  	s4 =	simm.s32 $_scs_section_size  }
0x9a: {  	s5 =	simm.s32 $_size__tile_overlayer_lowered;
	s6 =	simm.s32 $_tile_overlayer_lowered  }
0x9b: {  	s22 =	simm.s32 $0x1BFF;
	s21 =	sshll.u32 s6, $0x1;
	s3 =	sadd.s32 s4, s19  }
0x9c: {  	s7 =	simm.s32 $0x0;
	s20 =	sshll.u32 s5, $0x1;
	s5 =	sadd.s32 s21, s3  }
0x9d: {  	[timem:s7], [sflag:s22] =	dma.local [hbm:s5], s20  }
0x9e: {  	_ =	swait.ge [sflag:s22], s20  }
0x9f: {  	s4 =	ssub.s32 $0x0, s20;
	[sflag:s22] =	ssyncset.done $0x0  }
0xa0: {  	[sflag:s22] =	ssyncadd.s32 s4;
	_ =	sdelay $0x1  }
0xa1: {  	s23 =	simm.s32 $0x1B8B  }
0xa2: {  	_ =	swait.ge [sflag:s23], $0x1  }
0xa3: {  	[sflag:s23] =	ssyncset.done $0x0  }
0xa4: {  	s25 =	simm.s32 $0x1B8E;
	s24 =	sld [smem:$0x3FFE];
	[sflag:s23] =	ssyncadd.s32 $0xFFFFFFFF  }
0xa5: {  	s26 =	simm.s32 $execute0_lowered;
	[smem:$0x3FD2] =	sst s25  }
0xa6: {  	s5 =	sshll.u32 s26, $0x1;
	_ =	strace $0x80000046;
	[dreg:$0x1] =	wrdreg $0xFFFFFFFF  }
0xa7: {  	s28 =	simm.s32 $_size_execute0_lowered;
	s3 =	sadd.s32 s3, s5;
	[dreg:$0x0] =	wrdreg $0x0  }
0xa8: {  	s5 =	sshll.u32 s28, $0x1;
	[dreg:$0x2] =	wrdreg s3  }
0xa9: {  	[dreg:$0x3] =	wrdreg s5  }
0xaa: {  	[dreg:$0x4] =	wrdreg $0xC0  }
0xab: {  	_ =	task [dreg:s7], $0x5FFFF  }
0xac: {  	[dreg:$0x1] =	wrdreg $0xFFFFFFFF  }
0xad: {  	[dreg:$0x0] =	wrdreg $0x60  }
0xae: {  	[dreg:$0x2] =	wrdreg s24  }
0xaf: {  	[dreg:$0x3] =	wrdreg s2  }
0xb0: {  	[dreg:$0x4] =	wrdreg $0x9  }
0xb1: {  	_ =	task.clear_ibuf [dreg:s7], $0x5FFFF;
	_ =	strace $0x90000046  }
0xb2: {  	s29 =	simm.s32 $0x9;
	_ =	strace $0x80000048  }
0xb3: {  	_ =	swait.ge [sflag:s29], $0x1  }
0xb4: {  	[sflag:s29] =	ssyncadd.s32 $0xFFFFFFFF  }
0xb5: {  	_ =	strace $0x90000048  }
0xb6: {  	_ =	sfence  }
0xb7: {  	s30 =	sld [smem:$0x0];
	_ =	sdelay $0x2  }
0xb8: {  	s31 =	sshll.u32 s1, $0xD;
	s1 =	sshrl.u32 s1, $0x2  }
0xb9: {  	s3 =	sand.u32 $0x4000, s31;
	s1 =	sadd.s32 s1, s30  }
0xba: {  	s0 =	sor.u32 s3, s0;
	s1 =	sshll.u32 s1, $0x11  }
0xbb: {  	s0 =	sor.u32 s1, s0  }
0xbc: {  	s0 =	sadd.s32 $0x8F2B, s0  }
0xbd: {  	[sflag:s0] =	ssyncadd.remote.s32 $0x1  }
0xbe: {  	_ =	sfence.sel $0xFFFF  }
0xbf: {  	[dreg:$0x0] =	wrdreg $0xFFFFFFFF;
	(pc) =	sbr.abs _section_cstart, $3  }
0xc0: {  	[dreg:$0x1] =	wrdreg $0xFFFFFFFF  }
0xc1: {  	_ =	task.clear_ibuf [dreg:s7], $0x2FFFF;
	_ =	strace $0x9FFFFFFF  }
0xc2: {  	(tm) =	ssettm $0x7FFFFFFF  }
0xc3: {  	_ =	shalt  }
tec
execute0_lowered:
.L_overlay_start_1:
0x0: {  	(tag) =	ssettag $0x1  }
0x1: {  	s1 =	srdreg.scid;
	s4 =	rddreg [dreg:$0x0]  }
0x2: {  	s0 =	stileid.u32;
	s6 =	rddreg [dreg:$0x1]  }
0x3: {  	s2 =	simm.s32 $0x0;
	s10 =	simm.s32 $0x80;
	s11 =	simm.s32 $0x3A98  }
0x4: {  	s12 =	simm.s32 $0x7A98;
	s13 =	simm.s32 $0xBA98;
	s14 =	simm.s32 $0xFA98  }
0x5: {  	v0 =	vlaneseq.u32;
	s15 =	simm.s32 $0x1;
	s3 =	sand.u32 $0x1, s1;
	s30 =	sshll.u32 s0, $0x1  }
0x6: {  	s16 =	simm.s32 $0x13A98;
	s17 =	simm.s32 $0x2;
	v0 =	vmul.u32 $0x18, v0;
	s1 =	sor.u32 s3, s30  }
0x7: {  	s18 =	simm.s32 $0x2710;
	s19 =	simm.s32 $0x0;
	s5 =	smul.u32 $0x1388, s1  }
0x8: {  	[smem:$0x7FF] =	sst s2;
	s31 =	ssub.s32 $0x2, s3;
	s3 =	sadd.s32 $0x600, s4;
	v1 =	vor.u32 $0x1, v0;
	v2 =	vor.u32 $0x2, v0;
	v3 =	vor.u32 $0x3, v0  }
0x9: {  	s1 =	rddreg [dreg:$0x2];
	s9 =	sshrl.u32 s31, $0x1;
	v4 =	vor.u32 $0x4, v0;
	v5 =	vor.u32 $0x5, v0;
	v6 =	vor.u32 $0x6, v0;
	s7 =	sshrl.u32 s5, $0x3  }
0xa: {  	_ =	strace $0x80000047;
	v7 =	vor.u32 $0x7, v0;
	v8 =	vadd.s32 $0x8, v0;
	v9 =	vadd.s32 $0x9, v0;
	s9 =	ssub.s32 s31, s9;
	s8 =	sadd.s32 s7, s4  }
0xb: {  	v10 =	vadd.s32 $0xA, v0;
	v11 =	vadd.s32 $0xB, v0;
	v12 =	vadd.s32 $0xC, v0;
	s6 =	sadd.s32 s6, s7;
	s7 =	smax.u32 s9, $0x1;
	s9 =	simm.s32 $0x1388  }
0xc: {  	v13 =	vadd.s32 $0xD, v0;
	v14 =	vadd.s32 $0xE, v0;
	v15 =	vadd.s32 $0xF, v0;
	s4 =	sadd.s32 $0x27800, s8;
	s5 =	sadd.s32 $0x2C620, s8;
	s8 =	simm.s32 $0x3  }
.LBB2_1:
0xd: {  	[tilespmem:s2], [sflag:$0x3] =	stream.linear.gather [hbm4b:s4+s2], $0x1388, $0x38;
	[tilespmem:$0x13C18] =	vst v63  }
0xe: {  	_ =	swait.ge [sflag:s8], $0x1388  }
0xf: {  	[sflag:s8] =	ssyncset.done $0x0  }
0x10: {  	[sflag:s8] =	ssyncadd.s32 $0xFFFFEC78  }
0x11: {  	[tilespmem:s9], [sflag:$0x3] =	stream.linear.gather [hbm4b:s5+s2], $0x1388, $0x38;
	[tilespmem:$0x13C18] =	vst v63  }
0x12: {  	_ =	swait.ge [sflag:s8], $0x1388  }
0x13: {  	[sflag:s8] =	ssyncset.done $0x0  }
0x14: {  	[sflag:s8] =	ssyncadd.s32 $0xFFFFEC78  }
0x15: {  	[tilespmem:s11], [sflag:$0x1] =	stream.indirect.gather [hbm4b:s3+s10], $0x80, s2, s10, $0xb8;
	[tilespmem:$0x13C18] =	vst v63  }
0x16: {  	s20 =	simm.s32 $0x0  }
0x17: {  	[tilespmem:s12], [sflag:$0x1] =	stream.indirect.gather [hbm4b:s3+s10], $0x80, s9, s10, $0xb8;
	[tilespmem:$0x13C18] =	vst v63  }
.LBB2_2:
0x18: {  	s22 =	sshll.u32 s20, $0x8  }
0x19: {  	s21 =	sor.u32 $0x80, s22  }
0x1a: {  	s21 =	smin.u32 s21, $0x1308  }
0x1b: {  	[tilespmem:s13], [sflag:$0x2] =	stream.indirect.gather [hbm4b:s3+s10], $0x80, s21, s10, $0xb8;
	[tilespmem:$0x13C18] =	vst v63  }
0x1c: {  	s23 =	sadd.s32 $0x1388, s21  }
0x1d: {  	[tilespmem:s14], [sflag:$0x2] =	stream.indirect.gather [hbm4b:s3+s10], $0x80, s23, s10, $0xb8;
	[tilespmem:$0x13C18] =	vst v63  }
0x1e: {  	_ =	swait.ge [sflag:s15], $0x4000  }
0x1f: {  	[sflag:s15] =	ssyncset.done $0x0  }
0x20: {  	[sflag:s15] =	ssyncadd.s32 $0xFFFFC000  }
0x21: {  	_ =	swait.ge [sflag:s15], $0x4000  }
0x22: {  	s24 =	simm.s32 $0x7B18;
	s26 =	sadd.s32 $0x2710, s22;
	[sflag:s15] =	ssyncset.done $0x0  }
0x23: {  	s25 =	simm.s32 $0x3B18;
	v16 =	vmov s26;
	s23 =	simm.s32 $0x0;
	[sflag:s15] =	ssyncadd.s32 $0xFFFFC000  }
.LBB2_3:
0x24: {  	v18 =	vld [tilespmem:s25+$0xFFFFFF90]  }
0x25: {  	v20 =	vld [tilespmem:s24+$0xFFFFFF90]  }
0x26: {  	v17 =	vld [tilespmem:s25+$0xFFFFFFB0]  }
0x27: {  	v21 =	vld [tilespmem:s25+$0xFFFFFF80]  }
0x28: {  	v22 =	vld [tilespmem:s24+$0xFFFFFFB0]  }
0x29: {  	v23 =	vld [tilespmem:s25+$0xFFFFFFF0]  }
0x2a: {  	v24 =	vld [tilespmem:s24+$0xFFFFFFF0]  }
0x2b: {  	v25 =	vld [tilespmem:s25+$0xFFFFFFE0]  }
0x2c: {  	v26 =	vld [tilespmem:s24+$0xFFFFFFE0]  }
0x2d: {  	v27 =	vld [tilespmem:s25+$0x0]  }
0x2e: {  	v28 =	vld [tilespmem:s24+$0x40]  }
0x2f: {  	v29 =	vld [tilespmem:s25+$0x40]  }
0x30: {  	v30 =	vld [tilespmem:s24+$0x0]  }
0x31: {  	v31 =	vld [tilespmem:s24+$0xFFFFFF80]  }
0x32: {  	v40 =	vld [tilespmem:s25+$0x20]  }
0x33: {  	v44 =	vld [tilespmem:s24+$0x20]  }
0x34: {  	v22 =	vmul.bf16 v22, v17  }
0x35: {  	v19 =	vld [tilespmem:s24+$0x10];
	v34 =	vmul.bf16 v24, v23;
	v17 =	vmul.bf16 v26, v25  }
0x36: {  	v32 =	vld [tilespmem:s25+$0xFFFFFFC0];
	v18 =	vmul.bf16 v20, v18;
	v21 =	vmul.bf16 v31, v21  }
0x37: {  	v24 =	vld [tilespmem:s25+$0xFFFFFFD0];
	v30 =	vmul.bf16 v30, v27;
	v28 =	vmul.bf16 v28, v29  }
0x38: {  	v31 =	vld [tilespmem:s24+$0xFFFFFFD0];
	v63 =	vmul.bf16 v44, v40;
	v23 =	vunpack.i.l.bf16.f32 v22;
	v22 =	vunpack.i.u.bf16.f32 v22  }
0x39: {  	v33 =	vld [tilespmem:s24+$0xFFFFFFA0];
	v20 =	vunpack.i.l.bf16.f32 v34;
	v42 =	vunpack.i.u.bf16.f32 v28;
	v27 =	vunpack.i.u.bf16.f32 v17  }
0x3a: {  	v25 =	vld [tilespmem:s25+$0xFFFFFFA0];
	v29 =	vunpack.i.u.bf16.f32 v30;
	v23 =	vadd.f32 $0.0e+00, v23;
	v35 =	vadd.f32 $0.0e+00, v22  }
0x3b: {  	v38 =	vld [tilespmem:s24+$0xFFFFFFC0];
	v22 =	vunpack.i.u.bf16.f32 v21;
	v45 =	vadd.f32 $0.0e+00, v29;
	v29 =	vunpack.i.l.bf16.f32 v30  }
0x3c: {  	v41 =	vld [tilespmem:s25+$0x10];
	v26 =	vadd.f32 $0.0e+00, v22;
	v37 =	vadd.f32 v20, v23;
	v20 =	vunpack.i.u.bf16.f32 v18  }
0x3d: {  	v36 =	vld [tilespmem:s25+$0x60];
	v18 =	vunpack.i.l.bf16.f32 v18;
	v43 =	vmul.bf16 v31, v24;
	v24 =	vunpack.i.l.bf16.f32 v28  }
0x3e: {  	v30 =	vld [tilespmem:s24+$0x30];
	v28 =	vunpack.i.u.bf16.f32 v34;
	v23 =	vadd.f32 $0.0e+00, v20;
	v20 =	vunpack.i.l.bf16.f32 v21  }
0x3f: {  	v22 =	vld [tilespmem:s24+$0x50];
	v21 =	vmul.bf16 v33, v25;
	v18 =	vadd.f32 $0.0e+00, v18;
	v34 =	vadd.f32 v28, v35  }
0x40: {  	v35 =	vld [tilespmem:s24+$0x60];
	v20 =	vadd.f32 $0.0e+00, v20;
	v28 =	vunpack.i.l.bf16.f32 v43;
	v40 =	vunpack.i.u.bf16.f32 v43  }
0x41: {  	v25 =	vld [tilespmem:s24+$0x70];
	v31 =	vunpack.i.u.bf16.f32 v21;
	v39 =	vunpack.i.l.bf16.f32 v21;
	v21 =	vadd.f32 v28, v18  }
0x42: {  	v28 =	vld [tilespmem:s25+$0x30];
	v33 =	vadd.f32 $0.0e+00, v31;
	v31 =	vadd.f32 $0.0e+00, v29;
	v29 =	vmul.bf16 v38, v32  }
0x43: {  	s28 =	simm.s32 $0x13AB0;
	s29 =	simm.s32 $0x0;
	v18 =	vadd.f32 v37, v34;
	v37 =	vmul.bf16 v19, v41;
	v34 =	vld [tilespmem:s25+$0x50];
	v41 =	vunpack.i.l.bf16.f32 v63  }
0x44: {  	s30 =	sadd.s32 $0x100, s24;
	s31 =	smov.u32 s25;
	s26 =	simm.s32 $0x13AB0;
	v32 =	vadd.f32 v42, v45;
	v42 =	vunpack.i.u.bf16.f32 v63;
	v38 =	vld [tilespmem:s25+$0x70];
	v43 =	vunpack.i.u.bf16.f32 v29  }
.LBB2_4:
0x45: {  	v19 =	vld [tilespmem:s30+$0x10];
	s29 =	sadd.s32 $0x2, s29;
	v39 =	vadd.f32 $0.0e+00, v39;
	v26 =	vadd.f32 v43, v26;
	v35 =	vmul.bf16 v35, v36;
	s28 =	sadd.s32 $0x30, s28;
	s31 =	sadd.s32 $0x100, s31  }
0x46: {  	v17 =	vunpack.i.l.bf16.f32 v17;
	v27 =	vadd.f32 v27, v33;
	v33 =	vadd.f32 $0.0e+00, v42;
	v36 =	vld [tilespmem:s31+$0xFFFFFF90];
	p0 =	slt.u32 s29, $0xE  }
0x47: {  	v23 =	vadd.f32 v40, v23;
	v40 =	vunpack.i.l.bf16.f32 v37;
	v41 =	vadd.f32 $0.0e+00, v41;
	v42 =	vld [tilespmem:s30+$0xFFFFFF90]  }
0x48: {  	v37 =	vunpack.i.u.bf16.f32 v37;
	v24 =	vadd.f32 v24, v31;
	v31 =	vunpack.i.u.bf16.f32 v35;
	v43 =	vld [tilespmem:s31+$0xFFFFFFB0]  }
0x49: {  	v40 =	vadd.f32 $0.0e+00, v40;
	v35 =	vunpack.i.l.bf16.f32 v35;
	v44 =	vld [tilespmem:s31+$0xFFFFFF80];
	v25 =	vmul.bf16 v25, v38  }
0x4a: {  	v24 =	vadd.f32 v24, v32;
	v22 =	vmul.bf16 v22, v34;
	v34 =	vadd.f32 v35, v41;
	v38 =	vld [tilespmem:s30+$0xFFFFFFB0]  }
0x4b: {  	v29 =	vunpack.i.l.bf16.f32 v29;
	v28 =	vmul.bf16 v30, v28;
	v30 =	vadd.f32 v31, v33;
	v32 =	vld [tilespmem:s31+$0xFFFFFFF0]  }
0x4c: {  	v20 =	vadd.f32 v29, v20;
	v17 =	vadd.f32 v17, v39;
	v29 =	vunpack.i.l.bf16.f32 v25;
	v31 =	vld [tilespmem:s30+$0xFFFFFFF0]  }
0x4d: {  	v35 =	vadd.f32 $0.0e+00, v37;
	v37 =	vunpack.i.u.bf16.f32 v28;
	v39 =	vunpack.i.l.bf16.f32 v22;
	v33 =	vld [tilespmem:s31+$0xFFFFFFE0]  }
0x4e: {  	v22 =	vunpack.i.u.bf16.f32 v22;
	v30 =	vadd.f32 v34, v30;
	v39 =	vadd.f32 v39, v40;
	v41 =	vld [tilespmem:s30+$0xFFFFFFE0]  }
0x4f: {  	v28 =	vunpack.i.l.bf16.f32 v28;
	v37 =	vadd.f32 $0.0e+00, v37;
	v22 =	vadd.f32 v22, v35;
	v34 =	vld [tilespmem:s31+$0x0]  }
0x50: {  	v21 =	vadd.f32 v21, v23;
	v23 =	vadd.f32 $0.0e+00, v28;
	v25 =	vunpack.i.u.bf16.f32 v25;
	v35 =	vld [tilespmem:s30+$0x40]  }
0x51: {  	v20 =	vadd.f32 v20, v26;
	v22 =	vadd.f32 v39, v22;
	v28 =	vmul.bf16 v31, v32;
	v31 =	vld [tilespmem:s31+$0x40]  }
0x52: {  	v27 =	vadd.f32 v17, v27;
	v23 =	vadd.f32 v29, v23;
	v26 =	vld [tilespmem:s30+$0x0]  }
0x53: {  	v25 =	vadd.f32 v25, v37;
	v32 =	vmul.bf16 v38, v43;
	v29 =	vld [tilespmem:s30+$0xFFFFFF80];
	v17 =	vmul.bf16 v41, v33  }
0x54: {  	v20 =	vadd.f32 v21, v20;
	v18 =	vadd.f32 v18, v27;
	v37 =	vld [tilespmem:s31+$0xFFFFFFC0]  }
0x55: {  	v22 =	vadd.f32 v22, v24;
	v27 =	vunpack.i.u.bf16.f32 v32;
	v32 =	vunpack.i.l.bf16.f32 v32;
	v21 =	vld [tilespmem:s30+$0xFFFFFFA0]  }
0x56: {  	v23 =	vadd.f32 v23, v25;
	v33 =	vunpack.i.l.bf16.f32 v28;
	v24 =	vadd.f32 $0.0e+00, v32;
	v32 =	vld [tilespmem:s31+$0xFFFFFFD0]  }
0x57: {  	v18 =	vadd.f32 v18, v20;
	v25 =	vmul.bf16 v42, v36;
	v38 =	vadd.f32 $0.0e+00, v27;
	v36 =	vld [tilespmem:s31+$0xFFFFFFA0]  }
0x58: {  	v40 =	vadd.f32 v33, v24;
	v20 =	vmul.bf16 v29, v44;
	v27 =	vld [tilespmem:s30+$0xFFFFFFD0];
	v29 =	vmul.bf16 v26, v34  }
0x59: {  	v24 =	vunpack.i.u.bf16.f32 v25;
	v25 =	vunpack.i.l.bf16.f32 v25;
	v34 =	vld [tilespmem:s30+$0xFFFFFFC0];
	[tilespmem:s26+$0xFFFFFFE8] =	vst v18;
	v18 =	vadd.f32 v23, v30  }
0x5a: {  	v23 =	vadd.f32 $0.0e+00, v24;
	v24 =	vmul.bf16 v35, v31;
	v26 =	vunpack.i.u.bf16.f32 v20;
	v30 =	vld [tilespmem:s31+$0x20]  }
0x5b: {  	v20 =	vunpack.i.l.bf16.f32 v20;
	v26 =	vadd.f32 $0.0e+00, v26;
	v41 =	vld [tilespmem:s31+$0x10];
	v18 =	vadd.f32 v18, v22  }
0x5c: {  	v20 =	vadd.f32 $0.0e+00, v20;
	v42 =	vunpack.i.u.bf16.f32 v24;
	v21 =	vmul.bf16 v21, v36;
	v22 =	vld [tilespmem:s30+$0x50]  }
0x5d: {  	v24 =	vunpack.i.l.bf16.f32 v24;
	v32 =	vmul.bf16 v27, v32;
	v27 =	vunpack.i.u.bf16.f32 v17;
	v43 =	vld [tilespmem:s30+$0x20];
	[tilespmem:s26+$0x0] =	vst v18;
	s26 =	smov.u32 s28  }
0x5e: {  	v28 =	vunpack.i.u.bf16.f32 v28;
	v31 =	vunpack.i.u.bf16.f32 v29;
	v18 =	vadd.f32 $0.0e+00, v25;
	v25 =	vld [tilespmem:s30+$0x70]  }
0x5f: {  	v38 =	vadd.f32 v28, v38;
	v44 =	vadd.f32 $0.0e+00, v31;
	v33 =	vunpack.i.u.bf16.f32 v21;
	v35 =	vld [tilespmem:s30+$0x60]  }
.Ltmp0:
0x60: {  	v29 =	vunpack.i.l.bf16.f32 v29;
	v33 =	vadd.f32 $0.0e+00, v33;
	v28 =	vunpack.i.l.bf16.f32 v32;
	v36 =	vld [tilespmem:s31+$0x60];
	(pc) =	sbr.rel @p0 .LBB2_4-.Ltmp0, $4  }
0x61: {  	v31 =	vadd.f32 $0.0e+00, v29;
	v39 =	vunpack.i.l.bf16.f32 v21;
	v21 =	vadd.f32 v28, v18;
	v28 =	vld [tilespmem:s31+$0x30]  }
0x62: {  	v29 =	vmul.bf16 v34, v37;
	v18 =	vadd.f32 v40, v38;
	v38 =	vmul.bf16 v43, v30;
	v30 =	vld [tilespmem:s30+$0x30]  }
0x63: {  	v40 =	vunpack.i.u.bf16.f32 v32;
	v37 =	vmul.bf16 v19, v41;
	v32 =	vadd.f32 v42, v44;
	v34 =	vld [tilespmem:s31+$0x50]  }
0x64: {  	v43 =	vunpack.i.u.bf16.f32 v29;
	s30 =	sadd.s32 $0x100, s30;
	v42 =	vunpack.i.u.bf16.f32 v38;
	v41 =	vunpack.i.l.bf16.f32 v38;
	v38 =	vld [tilespmem:s31+$0x70]  }
0x65: {  	v19 =	vadd.f32 $0.0e+00, v39  }
0x66: {  	v26 =	vadd.f32 v43, v26;
	v27 =	vadd.f32 v27, v33  }
0x67: {  	v35 =	vmul.bf16 v35, v36;
	v62 =	vadd.f32 $0.0e+00, v42;
	v23 =	vadd.f32 v40, v23  }
0x68: {  	v63 =	vunpack.i.l.bf16.f32 v37;
	v42 =	vadd.f32 $0.0e+00, v41;
	v43 =	vunpack.i.u.bf16.f32 v37  }
0x69: {  	v24 =	vadd.f32 v24, v31;
	v29 =	vunpack.i.l.bf16.f32 v29;
	v36 =	vadd.f32 $0.0e+00, v63  }
0x6a: {  	v17 =	vunpack.i.l.bf16.f32 v17;
	v20 =	vadd.f32 v29, v20;
	v47 =	vadd.f32 $0.0e+00, v43  }
0x6b: {  	v44 =	vunpack.i.u.bf16.f32 v35;
	v35 =	vunpack.i.l.bf16.f32 v35;
	v24 =	vadd.f32 v24, v32  }
0x6c: {  	v28 =	vmul.bf16 v30, v28;
	v17 =	vadd.f32 v17, v19;
	v21 =	vadd.f32 v21, v23  }
0x6d: {  	v22 =	vmul.bf16 v22, v34;
	v45 =	vadd.f32 v35, v42;
	v46 =	vadd.f32 v44, v62  }
0x6e: {  	v20 =	vadd.f32 v20, v26;
	v25 =	vmul.bf16 v25, v38;
	v48 =	vunpack.i.u.bf16.f32 v28  }
0x6f: {  	v28 =	vunpack.i.l.bf16.f32 v28;
	v49 =	vunpack.i.l.bf16.f32 v22;
	v22 =	vunpack.i.u.bf16.f32 v22  }
0x70: {  	v31 =	vadd.f32 $0.0e+00, v48;
	v28 =	vadd.f32 $0.0e+00, v28;
	v19 =	vunpack.i.l.bf16.f32 v25  }
0x71: {  	v32 =	vadd.f32 v49, v36;
	v22 =	vadd.f32 v22, v47;
	v50 =	vunpack.i.u.bf16.f32 v25  }
0x72: {  	v19 =	vadd.f32 v19, v28;
	v23 =	vadd.f32 v50, v31  }
0x73: {  	v17 =	vadd.f32 v17, v27;
	v30 =	vadd.f32 v45, v46  }
0x74: {  	v22 =	vadd.f32 v32, v22;
	v19 =	vadd.f32 v19, v23  }
0x75: {  	v20 =	vadd.f32 v21, v20;
	v17 =	vadd.f32 v18, v17  }
0x76: {  	v18 =	vadd.f32 v22, v24;
	v19 =	vadd.f32 v19, v30  }
0x77: {  	v17 =	vadd.f32 v17, v20  }
0x78: {  	v18 =	vadd.f32 v19, v18  }
0x79: {  	[tilespmem:s26+$0xFFFFFFE8] =	vst v17  }
0x7a: {  	[tilespmem:s26+$0x0] =	vst v18  }
0x7b: {  	v17 =	vld.idx.msk [tilespmem:v0+s16+$0x0], $0xffff  }
0x7c: {  	v18 =	vld.idx.msk [tilespmem:v1+s16+$0x0], $0xffff  }
0x7d: {  	v19 =	vld.idx.msk [tilespmem:v2+s16+$0x0], $0xffff  }
0x7e: {  	v51 =	vld.idx.msk [tilespmem:v3+s16+$0x0], $0xffff  }
0x7f: {  	v52 =	vld.idx.msk [tilespmem:v4+s16+$0x0], $0xffff  }
0x80: {  	v53 =	vld.idx.msk [tilespmem:v5+s16+$0x0], $0xffff  }
0x81: {  	v54 =	vld.idx.msk [tilespmem:v6+s16+$0x0], $0xffff  }
0x82: {  	v55 =	vld.idx.msk [tilespmem:v7+s16+$0x0], $0xffff  }
0x83: {  	v56 =	vld.idx.msk [tilespmem:v8+s16+$0x0], $0xffff  }
0x84: {  	v57 =	vld.idx.msk [tilespmem:v9+s16+$0x0], $0xffff  }
0x85: {  	v58 =	vld.idx.msk [tilespmem:v10+s16+$0x0], $0xffff  }
0x86: {  	v59 =	vld.idx.msk [tilespmem:v11+s16+$0x0], $0xffff  }
0x87: {  	v60 =	vld.idx.msk [tilespmem:v12+s16+$0x0], $0xffff  }
0x88: {  	v61 =	vld.idx.msk [tilespmem:v13+s16+$0x0], $0xffff;
	v17 =	vadd.f32 $0.0e+00, v17;
	v18 =	vadd.f32 $0.0e+00, v18  }
0x89: {  	v62 =	vld.idx.msk [tilespmem:v14+s16+$0x0], $0xffff;
	v19 =	vadd.f32 $0.0e+00, v19;
	v20 =	vadd.f32 $0.0e+00, v51  }
0x8a: {  	v63 =	vld.idx.msk [tilespmem:v15+s16+$0x0], $0xffff;
	v17 =	vadd.f32 v52, v17;
	v18 =	vadd.f32 v53, v18  }
0x8b: {  	v19 =	vadd.f32 v54, v19;
	v20 =	vadd.f32 v55, v20  }
0x8c: {  	v17 =	vadd.f32 v56, v17;
	v18 =	vadd.f32 v57, v18  }
0x8d: {  	v19 =	vadd.f32 v58, v19;
	v20 =	vadd.f32 v59, v20  }
0x8e: {  	v17 =	vadd.f32 v60, v17;
	v18 =	vadd.f32 v61, v18  }
0x8f: {  	v19 =	vadd.f32 v62, v19;
	v20 =	vadd.f32 v63, v20;
	_ =	sdelay $0x1  }
0x90: {  	v17 =	vadd.f32 v18, v17;
	v18 =	vadd.f32 v20, v19;
	_ =	sdelay $0x1  }
0x91: {  	v17 =	vadd.f32 v18, v17;
	_ =	sdelay $0x1  }
0x92: {  	v17 =	vsub.f32 $0.0e+00, v17;
	_ =	sdelay $0x1  }
0x93: {  	v17 =	vmul.f32 $1.442695020e+00, v17;
	_ =	sdelay $0x1  }
0x94: {  	(erf) = vpow2.f32 v17;
	_ =	sdelay $0x8  }
0x95: {  	v17 =	vpop (erf)  }
0x96: {  	v17 =	vadd.f32 $1.000000000e+00, v17;
	_ =	sdelay $0x1  }
0x97: {  	(erf) = vrcp.f32 v17;
	_ =	sdelay $0x3  }
0x98: {  	s31 =	sshll.u32 s23, $0x4;
	s23 =	sadd.s32 $0x1, s23  }
0x99: {  	p0 =	sne.s32 s23, $0x8  }
.Ltmp1:
0x9a: {  	_ = 	snop;
	(pc) =	sbr.rel @p0 .LBB2_3-.Ltmp1, $3  }
0x9b: {  	_ =	sdelay $0x1  }
0x9c: {  	s26 =	sand.u32 $0x3FFFFFF0, s31;
	v17 =	vpop (erf)  }
0x9d: {  	s24 =	sadd.s32 $0x800, s24;
	s25 =	sadd.s32 $0x800, s25;
	[tilespmem:v16+s26+$0x0 ss:$0x1] =	vst.idx.msk $0xffff, v17  }
0x9e: {  	p0 =	seq.s32 s20, $0x13  }
0x9f: {  	s22 =	smin.u32 @!p0 s22, $0x1208  }
0xa0: {  	s24 =	simm.s32 @!p0 $0x80;
	s25 =	simm.s32 @!p0 $0x3A98;
	s23 =	sadd.s32 @!p0 $0x100, s22  }
0xa1: {  	[tilespmem:s25], [sflag:$0x1] =	stream.indirect.gather @!p0 [hbm4b:s3+s24], $0x80, s23, s24, $0xb8;
	[tilespmem:$0x13C18] =	vst v63  }
0xa2: {  	s22 =	sadd.s32 @!p0 $0x1488, s22;
	s23 =	simm.s32 @!p0 $0x7A98  }
0xa3: {  	[tilespmem:s23], [sflag:$0x1] =	stream.indirect.gather @!p0 [hbm4b:s3+s24], $0x80, s22, s24, $0xb8;
	[tilespmem:$0x13C18] =	vst v63  }
0xa4: {  	_ =	swait.ge [sflag:s17], $0x4000  }
0xa5: {  	[sflag:s17] =	ssyncset.done $0x0  }
0xa6: {  	[sflag:s17] =	ssyncadd.s32 $0xFFFFC000  }
0xa7: {  	_ =	swait.ge [sflag:s17], $0x4000  }
0xa8: {  	s31 =	sadd.s32 $0x2710, s21;
	s21 =	simm.s32 $0x0;
	[sflag:s17] =	ssyncset.done $0x0  }
0xa9: {  	v16 =	vmov s31;
	s22 =	simm.s32 $0xFB18;
	s23 =	simm.s32 $0xBB18;
	[sflag:s17] =	ssyncadd.s32 $0xFFFFC000  }
.LBB2_7:
0xaa: {  	v18 =	vld [tilespmem:s23+$0xFFFFFF90]  }
0xab: {  	v20 =	vld [tilespmem:s22+$0xFFFFFF90]  }
0xac: {  	v17 =	vld [tilespmem:s23+$0xFFFFFFB0]  }
0xad: {  	v21 =	vld [tilespmem:s23+$0xFFFFFF80]  }
0xae: {  	v22 =	vld [tilespmem:s22+$0xFFFFFFB0]  }
0xaf: {  	v23 =	vld [tilespmem:s23+$0xFFFFFFF0]  }
0xb0: {  	v24 =	vld [tilespmem:s22+$0xFFFFFFF0]  }
0xb1: {  	v25 =	vld [tilespmem:s23+$0xFFFFFFE0]  }
0xb2: {  	v26 =	vld [tilespmem:s22+$0xFFFFFFE0]  }
0xb3: {  	v27 =	vld [tilespmem:s23+$0x0]  }
0xb4: {  	v28 =	vld [tilespmem:s22+$0x40]  }
0xb5: {  	v29 =	vld [tilespmem:s23+$0x40]  }
0xb6: {  	v30 =	vld [tilespmem:s22+$0x0]  }
0xb7: {  	v31 =	vld [tilespmem:s22+$0xFFFFFF80]  }
0xb8: {  	v40 =	vld [tilespmem:s23+$0x20]  }
0xb9: {  	v44 =	vld [tilespmem:s22+$0x20]  }
0xba: {  	v22 =	vmul.bf16 v22, v17  }
0xbb: {  	v19 =	vld [tilespmem:s22+$0x10];
	v34 =	vmul.bf16 v24, v23;
	v17 =	vmul.bf16 v26, v25  }
0xbc: {  	v32 =	vld [tilespmem:s23+$0xFFFFFFC0];
	v18 =	vmul.bf16 v20, v18;
	v21 =	vmul.bf16 v31, v21  }
0xbd: {  	v24 =	vld [tilespmem:s23+$0xFFFFFFD0];
	v30 =	vmul.bf16 v30, v27;
	v28 =	vmul.bf16 v28, v29  }
0xbe: {  	v31 =	vld [tilespmem:s22+$0xFFFFFFD0];
	v63 =	vmul.bf16 v44, v40;
	v23 =	vunpack.i.l.bf16.f32 v22;
	v22 =	vunpack.i.u.bf16.f32 v22  }
0xbf: {  	v33 =	vld [tilespmem:s22+$0xFFFFFFA0];
	v20 =	vunpack.i.l.bf16.f32 v34;
	v42 =	vunpack.i.u.bf16.f32 v28;
	v27 =	vunpack.i.u.bf16.f32 v17  }
0xc0: {  	v25 =	vld [tilespmem:s23+$0xFFFFFFA0];
	v29 =	vunpack.i.u.bf16.f32 v30;
	v23 =	vadd.f32 $0.0e+00, v23;
	v35 =	vadd.f32 $0.0e+00, v22  }
0xc1: {  	v38 =	vld [tilespmem:s22+$0xFFFFFFC0];
	v22 =	vunpack.i.u.bf16.f32 v21;
	v45 =	vadd.f32 $0.0e+00, v29;
	v29 =	vunpack.i.l.bf16.f32 v30  }
0xc2: {  	v41 =	vld [tilespmem:s23+$0x10];
	v26 =	vadd.f32 $0.0e+00, v22;
	v37 =	vadd.f32 v20, v23;
	v20 =	vunpack.i.u.bf16.f32 v18  }
0xc3: {  	v36 =	vld [tilespmem:s23+$0x60];
	v18 =	vunpack.i.l.bf16.f32 v18;
	v43 =	vmul.bf16 v31, v24;
	v24 =	vunpack.i.l.bf16.f32 v28  }
0xc4: {  	v30 =	vld [tilespmem:s22+$0x30];
	v28 =	vunpack.i.u.bf16.f32 v34;
	v23 =	vadd.f32 $0.0e+00, v20;
	v20 =	vunpack.i.l.bf16.f32 v21  }
0xc5: {  	v22 =	vld [tilespmem:s22+$0x50];
	v21 =	vmul.bf16 v33, v25;
	v18 =	vadd.f32 $0.0e+00, v18;
	v34 =	vadd.f32 v28, v35  }
0xc6: {  	v35 =	vld [tilespmem:s22+$0x60];
	v20 =	vadd.f32 $0.0e+00, v20;
	v28 =	vunpack.i.l.bf16.f32 v43;
	v40 =	vunpack.i.u.bf16.f32 v43  }
0xc7: {  	v25 =	vld [tilespmem:s22+$0x70];
	v31 =	vunpack.i.u.bf16.f32 v21;
	v39 =	vunpack.i.l.bf16.f32 v21;
	v21 =	vadd.f32 v28, v18  }
0xc8: {  	v28 =	vld [tilespmem:s23+$0x30];
	v33 =	vadd.f32 $0.0e+00, v31;
	v31 =	vadd.f32 $0.0e+00, v29;
	v29 =	vmul.bf16 v38, v32  }
0xc9: {  	s25 =	simm.s32 $0x13AB0;
	s26 =	simm.s32 $0x0;
	v18 =	vadd.f32 v37, v34;
	v37 =	vmul.bf16 v19, v41;
	v34 =	vld [tilespmem:s23+$0x50];
	v41 =	vunpack.i.l.bf16.f32 v63  }
0xca: {  	s28 =	sadd.s32 $0x100, s22;
	s29 =	smov.u32 s23;
	s24 =	simm.s32 $0x13AB0;
	v32 =	vadd.f32 v42, v45;
	v42 =	vunpack.i.u.bf16.f32 v63;
	v38 =	vld [tilespmem:s23+$0x70];
	v43 =	vunpack.i.u.bf16.f32 v29  }
.LBB2_8:
0xcb: {  	v19 =	vld [tilespmem:s28+$0x10];
	s26 =	sadd.s32 $0x2, s26;
	v39 =	vadd.f32 $0.0e+00, v39;
	v26 =	vadd.f32 v43, v26;
	v35 =	vmul.bf16 v35, v36;
	s25 =	sadd.s32 $0x30, s25;
	s29 =	sadd.s32 $0x100, s29  }
0xcc: {  	v17 =	vunpack.i.l.bf16.f32 v17;
	v27 =	vadd.f32 v27, v33;
	v33 =	vadd.f32 $0.0e+00, v42;
	v36 =	vld [tilespmem:s29+$0xFFFFFF90];
	p0 =	slt.u32 s26, $0xE  }
0xcd: {  	v23 =	vadd.f32 v40, v23;
	v40 =	vunpack.i.l.bf16.f32 v37;
	v41 =	vadd.f32 $0.0e+00, v41;
	v42 =	vld [tilespmem:s28+$0xFFFFFF90]  }
0xce: {  	v37 =	vunpack.i.u.bf16.f32 v37;
	v24 =	vadd.f32 v24, v31;
	v31 =	vunpack.i.u.bf16.f32 v35;
	v43 =	vld [tilespmem:s29+$0xFFFFFFB0]  }
0xcf: {  	v40 =	vadd.f32 $0.0e+00, v40;
	v35 =	vunpack.i.l.bf16.f32 v35;
	v44 =	vld [tilespmem:s29+$0xFFFFFF80];
	v25 =	vmul.bf16 v25, v38  }
0xd0: {  	v24 =	vadd.f32 v24, v32;
	v22 =	vmul.bf16 v22, v34;
	v34 =	vadd.f32 v35, v41;
	v38 =	vld [tilespmem:s28+$0xFFFFFFB0]  }
0xd1: {  	v29 =	vunpack.i.l.bf16.f32 v29;
	v28 =	vmul.bf16 v30, v28;
	v30 =	vadd.f32 v31, v33;
	v32 =	vld [tilespmem:s29+$0xFFFFFFF0]  }
0xd2: {  	v20 =	vadd.f32 v29, v20;
	v17 =	vadd.f32 v17, v39;
	v29 =	vunpack.i.l.bf16.f32 v25;
	v31 =	vld [tilespmem:s28+$0xFFFFFFF0]  }
0xd3: {  	v35 =	vadd.f32 $0.0e+00, v37;
	v37 =	vunpack.i.u.bf16.f32 v28;
	v39 =	vunpack.i.l.bf16.f32 v22;
	v33 =	vld [tilespmem:s29+$0xFFFFFFE0]  }
0xd4: {  	v22 =	vunpack.i.u.bf16.f32 v22;
	v30 =	vadd.f32 v34, v30;
	v39 =	vadd.f32 v39, v40;
	v41 =	vld [tilespmem:s28+$0xFFFFFFE0]  }
0xd5: {  	v28 =	vunpack.i.l.bf16.f32 v28;
	v37 =	vadd.f32 $0.0e+00, v37;
	v22 =	vadd.f32 v22, v35;
	v34 =	vld [tilespmem:s29+$0x0]  }
0xd6: {  	v21 =	vadd.f32 v21, v23;
	v23 =	vadd.f32 $0.0e+00, v28;
	v25 =	vunpack.i.u.bf16.f32 v25;
	v35 =	vld [tilespmem:s28+$0x40]  }
0xd7: {  	v20 =	vadd.f32 v20, v26;
	v22 =	vadd.f32 v39, v22;
	v28 =	vmul.bf16 v31, v32;
	v31 =	vld [tilespmem:s29+$0x40]  }
0xd8: {  	v27 =	vadd.f32 v17, v27;
	v23 =	vadd.f32 v29, v23;
	v26 =	vld [tilespmem:s28+$0x0]  }
0xd9: {  	v25 =	vadd.f32 v25, v37;
	v32 =	vmul.bf16 v38, v43;
	v29 =	vld [tilespmem:s28+$0xFFFFFF80];
	v17 =	vmul.bf16 v41, v33  }
0xda: {  	v20 =	vadd.f32 v21, v20;
	v18 =	vadd.f32 v18, v27;
	v37 =	vld [tilespmem:s29+$0xFFFFFFC0]  }
0xdb: {  	v22 =	vadd.f32 v22, v24;
	v27 =	vunpack.i.u.bf16.f32 v32;
	v32 =	vunpack.i.l.bf16.f32 v32;
	v21 =	vld [tilespmem:s28+$0xFFFFFFA0]  }
0xdc: {  	v23 =	vadd.f32 v23, v25;
	v33 =	vunpack.i.l.bf16.f32 v28;
	v24 =	vadd.f32 $0.0e+00, v32;
	v32 =	vld [tilespmem:s29+$0xFFFFFFD0]  }
0xdd: {  	v18 =	vadd.f32 v18, v20;
	v25 =	vmul.bf16 v42, v36;
	v38 =	vadd.f32 $0.0e+00, v27;
	v36 =	vld [tilespmem:s29+$0xFFFFFFA0]  }
0xde: {  	v40 =	vadd.f32 v33, v24;
	v20 =	vmul.bf16 v29, v44;
	v27 =	vld [tilespmem:s28+$0xFFFFFFD0];
	v29 =	vmul.bf16 v26, v34  }
0xdf: {  	v24 =	vunpack.i.u.bf16.f32 v25;
	v25 =	vunpack.i.l.bf16.f32 v25;
	v34 =	vld [tilespmem:s28+$0xFFFFFFC0];
	[tilespmem:s24+$0xFFFFFFE8] =	vst v18;
	v18 =	vadd.f32 v23, v30  }
0xe0: {  	v23 =	vadd.f32 $0.0e+00, v24;
	v24 =	vmul.bf16 v35, v31;
	v26 =	vunpack.i.u.bf16.f32 v20;
	v30 =	vld [tilespmem:s29+$0x20]  }
0xe1: {  	v20 =	vunpack.i.l.bf16.f32 v20;
	v26 =	vadd.f32 $0.0e+00, v26;
	v41 =	vld [tilespmem:s29+$0x10];
	v18 =	vadd.f32 v18, v22  }
0xe2: {  	v20 =	vadd.f32 $0.0e+00, v20;
	v42 =	vunpack.i.u.bf16.f32 v24;
	v21 =	vmul.bf16 v21, v36;
	v22 =	vld [tilespmem:s28+$0x50]  }
0xe3: {  	v24 =	vunpack.i.l.bf16.f32 v24;
	v32 =	vmul.bf16 v27, v32;
	v27 =	vunpack.i.u.bf16.f32 v17;
	v43 =	vld [tilespmem:s28+$0x20];
	[tilespmem:s24+$0x0] =	vst v18;
	s24 =	smov.u32 s25  }
0xe4: {  	v28 =	vunpack.i.u.bf16.f32 v28;
	v31 =	vunpack.i.u.bf16.f32 v29;
	v18 =	vadd.f32 $0.0e+00, v25;
	v25 =	vld [tilespmem:s28+$0x70]  }
0xe5: {  	v38 =	vadd.f32 v28, v38;
	v44 =	vadd.f32 $0.0e+00, v31;
	v33 =	vunpack.i.u.bf16.f32 v21;
	v35 =	vld [tilespmem:s28+$0x60]  }
.Ltmp2:
0xe6: {  	v29 =	vunpack.i.l.bf16.f32 v29;
	v33 =	vadd.f32 $0.0e+00, v33;
	v28 =	vunpack.i.l.bf16.f32 v32;
	v36 =	vld [tilespmem:s29+$0x60];
	(pc) =	sbr.rel @p0 .LBB2_8-.Ltmp2, $4  }
0xe7: {  	v31 =	vadd.f32 $0.0e+00, v29;
	v39 =	vunpack.i.l.bf16.f32 v21;
	v21 =	vadd.f32 v28, v18;
	v28 =	vld [tilespmem:s29+$0x30]  }
0xe8: {  	v29 =	vmul.bf16 v34, v37;
	v18 =	vadd.f32 v40, v38;
	v38 =	vmul.bf16 v43, v30;
	v30 =	vld [tilespmem:s28+$0x30]  }
0xe9: {  	v40 =	vunpack.i.u.bf16.f32 v32;
	v37 =	vmul.bf16 v19, v41;
	v32 =	vadd.f32 v42, v44;
	v34 =	vld [tilespmem:s29+$0x50]  }
0xea: {  	v43 =	vunpack.i.u.bf16.f32 v29;
	s28 =	sadd.s32 $0x100, s28;
	v42 =	vunpack.i.u.bf16.f32 v38;
	v41 =	vunpack.i.l.bf16.f32 v38;
	v38 =	vld [tilespmem:s29+$0x70]  }
0xeb: {  	v19 =	vadd.f32 $0.0e+00, v39  }
0xec: {  	v26 =	vadd.f32 v43, v26;
	v27 =	vadd.f32 v27, v33  }
0xed: {  	v35 =	vmul.bf16 v35, v36;
	v62 =	vadd.f32 $0.0e+00, v42;
	v23 =	vadd.f32 v40, v23  }
0xee: {  	v63 =	vunpack.i.l.bf16.f32 v37;
	v42 =	vadd.f32 $0.0e+00, v41;
	v43 =	vunpack.i.u.bf16.f32 v37  }
0xef: {  	v24 =	vadd.f32 v24, v31;
	v29 =	vunpack.i.l.bf16.f32 v29;
	v36 =	vadd.f32 $0.0e+00, v63  }
0xf0: {  	v17 =	vunpack.i.l.bf16.f32 v17;
	v20 =	vadd.f32 v29, v20;
	v47 =	vadd.f32 $0.0e+00, v43  }
0xf1: {  	v44 =	vunpack.i.u.bf16.f32 v35;
	v35 =	vunpack.i.l.bf16.f32 v35;
	v24 =	vadd.f32 v24, v32  }
0xf2: {  	v28 =	vmul.bf16 v30, v28;
	v17 =	vadd.f32 v17, v19;
	v21 =	vadd.f32 v21, v23  }
0xf3: {  	v22 =	vmul.bf16 v22, v34;
	v45 =	vadd.f32 v35, v42;
	v46 =	vadd.f32 v44, v62  }
0xf4: {  	v20 =	vadd.f32 v20, v26;
	v25 =	vmul.bf16 v25, v38;
	v48 =	vunpack.i.u.bf16.f32 v28  }
0xf5: {  	v28 =	vunpack.i.l.bf16.f32 v28;
	v49 =	vunpack.i.l.bf16.f32 v22;
	v22 =	vunpack.i.u.bf16.f32 v22  }
0xf6: {  	v31 =	vadd.f32 $0.0e+00, v48;
	v28 =	vadd.f32 $0.0e+00, v28;
	v19 =	vunpack.i.l.bf16.f32 v25  }
0xf7: {  	v32 =	vadd.f32 v49, v36;
	v22 =	vadd.f32 v22, v47;
	v50 =	vunpack.i.u.bf16.f32 v25  }
0xf8: {  	v19 =	vadd.f32 v19, v28;
	v23 =	vadd.f32 v50, v31  }
0xf9: {  	v17 =	vadd.f32 v17, v27;
	v30 =	vadd.f32 v45, v46  }
0xfa: {  	v22 =	vadd.f32 v32, v22;
	v19 =	vadd.f32 v19, v23  }
0xfb: {  	v20 =	vadd.f32 v21, v20;
	v17 =	vadd.f32 v18, v17  }
0xfc: {  	v18 =	vadd.f32 v22, v24;
	v19 =	vadd.f32 v19, v30  }
0xfd: {  	v17 =	vadd.f32 v17, v20  }
0xfe: {  	v18 =	vadd.f32 v19, v18  }
0xff: {  	[tilespmem:s24+$0xFFFFFFE8] =	vst v17  }
0x100: {  	[tilespmem:s24+$0x0] =	vst v18  }
0x101: {  	v17 =	vld.idx.msk [tilespmem:v0+s16+$0x0], $0xffff  }
0x102: {  	v18 =	vld.idx.msk [tilespmem:v1+s16+$0x0], $0xffff  }
0x103: {  	v19 =	vld.idx.msk [tilespmem:v2+s16+$0x0], $0xffff  }
0x104: {  	v51 =	vld.idx.msk [tilespmem:v3+s16+$0x0], $0xffff  }
0x105: {  	v52 =	vld.idx.msk [tilespmem:v4+s16+$0x0], $0xffff  }
0x106: {  	v53 =	vld.idx.msk [tilespmem:v5+s16+$0x0], $0xffff  }
0x107: {  	v54 =	vld.idx.msk [tilespmem:v6+s16+$0x0], $0xffff  }
0x108: {  	v55 =	vld.idx.msk [tilespmem:v7+s16+$0x0], $0xffff  }
0x109: {  	v56 =	vld.idx.msk [tilespmem:v8+s16+$0x0], $0xffff  }
0x10a: {  	v57 =	vld.idx.msk [tilespmem:v9+s16+$0x0], $0xffff  }
0x10b: {  	v58 =	vld.idx.msk [tilespmem:v10+s16+$0x0], $0xffff  }
0x10c: {  	v59 =	vld.idx.msk [tilespmem:v11+s16+$0x0], $0xffff  }
0x10d: {  	v60 =	vld.idx.msk [tilespmem:v12+s16+$0x0], $0xffff  }
0x10e: {  	v61 =	vld.idx.msk [tilespmem:v13+s16+$0x0], $0xffff;
	v17 =	vadd.f32 $0.0e+00, v17;
	v18 =	vadd.f32 $0.0e+00, v18  }
0x10f: {  	v62 =	vld.idx.msk [tilespmem:v14+s16+$0x0], $0xffff;
	v19 =	vadd.f32 $0.0e+00, v19;
	v20 =	vadd.f32 $0.0e+00, v51  }
0x110: {  	v63 =	vld.idx.msk [tilespmem:v15+s16+$0x0], $0xffff;
	v17 =	vadd.f32 v52, v17;
	v18 =	vadd.f32 v53, v18  }
0x111: {  	v19 =	vadd.f32 v54, v19;
	v20 =	vadd.f32 v55, v20  }
0x112: {  	v17 =	vadd.f32 v56, v17;
	v18 =	vadd.f32 v57, v18  }
0x113: {  	v19 =	vadd.f32 v58, v19;
	v20 =	vadd.f32 v59, v20  }
0x114: {  	v17 =	vadd.f32 v60, v17;
	v18 =	vadd.f32 v61, v18  }
0x115: {  	v19 =	vadd.f32 v62, v19;
	v20 =	vadd.f32 v63, v20;
	_ =	sdelay $0x1  }
0x116: {  	v17 =	vadd.f32 v18, v17;
	v18 =	vadd.f32 v20, v19;
	_ =	sdelay $0x1  }
0x117: {  	v17 =	vadd.f32 v18, v17;
	_ =	sdelay $0x1  }
0x118: {  	v17 =	vsub.f32 $0.0e+00, v17;
	_ =	sdelay $0x1  }
0x119: {  	v17 =	vmul.f32 $1.442695020e+00, v17;
	_ =	sdelay $0x1  }
0x11a: {  	(erf) = vpow2.f32 v17;
	_ =	sdelay $0x8  }
0x11b: {  	v17 =	vpop (erf)  }
0x11c: {  	v17 =	vadd.f32 $1.000000000e+00, v17;
	_ =	sdelay $0x1  }
0x11d: {  	(erf) = vrcp.f32 v17;
	_ =	sdelay $0x3  }
0x11e: {  	s31 =	sshll.u32 s21, $0x4;
	s21 =	sadd.s32 $0x1, s21  }
0x11f: {  	p0 =	sne.s32 s21, $0x8  }
.Ltmp3:
0x120: {  	_ = 	snop;
	(pc) =	sbr.rel @p0 .LBB2_7-.Ltmp3, $3  }
0x121: {  	_ =	sdelay $0x1  }
0x122: {  	s24 =	sand.u32 $0x3FFFFFF0, s31;
	v17 =	vpop (erf)  }
0x123: {  	s22 =	sadd.s32 $0x800, s22;
	s23 =	sadd.s32 $0x800, s23;
	[tilespmem:v16+s24+$0x0 ss:$0x1] =	vst.idx.msk $0xffff, v17  }
0x124: {  	s20 =	sadd.s32 $0x1, s20  }
0x125: {  	p0 =	sne.s32 s20, $0x14  }
.Ltmp4:
0x126: {  	_ = 	snop;
	(pc) =	sbr.rel @p0 .LBB2_2-.Ltmp4, $1  }
0x127: {  	_ =	sdelay $0x3  }
0x128: {  	s19 =	sadd.s32 $0x1, s19  }
0x129: {  	p0 =	sne.s32 s19, s7  }
.Ltmp5:
0x12a: {  	_ = 	snop;
	(pc) =	sbr.rel @p0 .LBB2_1-.Ltmp5, $4  }
0x12b: {  	[hbm4b:s6+s2] =	stream.linear.scatter [tilespmem:s18], [sflag:$0x3], $0x1388, $0x38;
	[tilespmem:$0x13C18] =	vst v63  }
0x12c: {  	_ =	swait.ge [sflag:s8], $0x1388  }
0x12d: {  	[sflag:s8] =	ssyncset.done $0x0  }
0x12e: {  	[sflag:s8] =	ssyncadd.s32 $0xFFFFEC78  }
0x12f: {  	_ =	sfence.sel $0x180000  }
0x130: {  	[bflag:$0x0] =	sbarrier.arrive $0xFFFF  }
0x131: {  	p0 =	sne.s32 s0, $0x0;
	_ =	strace $0x90000047  }
0x132: {  	s0 =	sadd.s32 @!p0 $0x100000, s1;
	[bflag:$0x2] =	sbarrier.arrive $0xFFFF  }
0x133: {  	[sflag:s0] =	ssyncadd.tile.s32 @!p0 $0x1;
	_ =	shalt  }
.Lfunc_end2:
_tile_overlayer_lowered:
.L_overlay_start_2:
0x134: {  	(tag) =	ssettag $0x2  }
0x135: {  	s0 =	rddreg [dreg:$0x0];
	s2 =	stileid.u32  }
0x136: {  	s1 =	rddreg [dreg:$0x1];
	p0 =	sne.s32 s2, $0x0  }
0x137: {  	s3 =	rddreg [dreg:$0x2];
	[bflag:$0x3] =	sbarrier.arrive $0xFFFF;
	s2 =	simm.s32 @!p0 $0x1C03  }
0x138: {  	[timem:s3], [sflag:s2] =	dma.local @!p0 [hbm:s0], s1  }
0x139: {  	s0 =	simm.s32 @!p0 $0x3  }
0x13a: {  	_ =	swait.ge @!p0 [sflag:s0], s1  }
0x13b: {  	s1 =	ssub.s32 @!p0 $0x0, s1;
	[sflag:s0] =	ssyncset.done @!p0 $0x0  }
0x13c: {  	[sflag:s0] =	ssyncadd.s32 @!p0 s1  }
0x13d: {  	[bflag:$0x3] =	sbarrier.arrive $0xFFFF  }
0x13e: {  	_ =	shalt  }

</sc_bundles>
